<compile_context>
chip_gen: v7x
topology: tpu7x:2x2x1
jax: 0.10.2.dev20260603
libtpu: 0.0.44.dev20260713+nightly
codegen_flags: <defaults>
</compile_context>

<pallas_src>
import functools

import jax
import jax.numpy as jnp
from jax import lax
from jax.experimental import pallas as pl
from jax.experimental.pallas import tpu as pltpu
from jax.experimental.pallas import tpu_sc as plsc

B = 16384
D = 64
N_ROWS = 1000000
BC = 128
NB = 3907
S = BC * NB
NCB = 7813
N_CORES = 2
N_SUBCORES = 16
N_WORKERS = N_CORES * N_SUBCORES
BPW = B // N_WORKERS
LANES = 16
CH = 256
NPASS = BPW // CH
NBLK = CH // LANES


def _tp_body(in1_ref, in2_ref, out_ref):
    eye = jnp.eye(D, dtype=jnp.float32)
    dn = (((0,), (0,)), ((), ()))
    a = jax.lax.dot_general(in1_ref[...], eye, dn,
                            preferred_element_type=jnp.float32)
    b = jax.lax.dot_general(in2_ref[...], eye, dn,
                            preferred_element_type=jnp.float32)
    out_ref[:, 0:D] = a
    out_ref[:, D:2 * D] = b


def _pack(table_t):
    grid = (NB,)
    return pl.pallas_call(
        _tp_body,
        grid=grid,
        in_specs=[
            pl.BlockSpec((D, BC), lambda i: (0, i)),
            pl.BlockSpec((D, BC), lambda i: (0, jnp.minimum(NB + i, NCB - 1))),
        ],
        out_specs=pl.BlockSpec((BC, 2 * D), lambda i: (i, 0)),
        out_shape=jax.ShapeDtypeStruct((S, 2 * D), jnp.float32),
    )(table_t, table_t)


def _tec_body(h_hbm, t_hbm, r_hbm, ent_hbm, rel_hbm, dummy_hbm, out_hbm,
              hidx_v, tidx_v, ridx_v, he_v, te_v, re_v, out_v, sem):
    cid = lax.axis_index("c")
    sid = lax.axis_index("s")
    wid = sid * N_CORES + cid
    base = wid * BPW

    pltpu.sync_copy(h_hbm.at[pl.ds(base, BPW)], hidx_v)
    pltpu.sync_copy(t_hbm.at[pl.ds(base, BPW)], tidx_v)
    pltpu.sync_copy(r_hbm.at[pl.ds(base, BPW)], ridx_v)

    lane = jnp.arange(LANES, dtype=jnp.int32)
    nh = jnp.int32(S)

    def half(p, carry0):
        def fire(g, carry):
            off = p * CH + g * LANES
            hv = hidx_v[pl.ds(off, LANES)]
            tv = tidx_v[pl.ds(off, LANES)]
            rv = ridx_v[pl.ds(off, LANES)]
            for k in range(LANES):
                dst = pl.ds(g * LANES + k, 1)
                hk = hv[k]
                tk = tv[k]
                rk = rv[k]
                hk = jnp.where(hk >= nh, hk - nh, hk)
                tk = jnp.where(tk >= nh, tk - nh, tk)
                rk = jnp.where(rk >= nh, rk - nh, rk)
                pltpu.async_copy(ent_hbm.at[pl.ds(hk, 1), :],
                                 he_v.at[dst, :], sem)
                pltpu.async_copy(ent_hbm.at[pl.ds(tk, 1), :],
                                 te_v.at[dst, :], sem)
                pltpu.async_copy(rel_hbm.at[pl.ds(rk, 1), :],
                                 re_v.at[dst, :], sem)
            return carry

        lax.fori_loop(0, CH // LANES, fire, 0)
        pltpu.make_async_copy(dummy_hbm, he_v, sem).wait()
        pltpu.make_async_copy(dummy_hbm, te_v, sem).wait()
        pltpu.make_async_copy(dummy_hbm, re_v, sem).wait()

        def block(b, carry):
            rows = b * LANES + lane
            off = p * CH + b * LANES
            hv16 = hidx_v[pl.ds(off, LANES)]
            tv16 = tidx_v[pl.ds(off, LANES)]
            rv16 = ridx_v[pl.ds(off, LANES)]
            zero = jnp.zeros((LANES,), jnp.int32)
            hoff = jnp.where(hv16 >= nh, jnp.int32(D), zero)
            toff = jnp.where(tv16 >= nh, jnp.int32(D), zero)
            roff = jnp.where(rv16 >= nh, jnp.int32(D), zero)

            def dcol(d, acc):
                hv = plsc.load_gather(he_v, [rows, hoff + d])
                tv = plsc.load_gather(te_v, [rows, toff + d])
                rv = plsc.load_gather(re_v, [rows, roff + d])
                e = hv + rv - tv
                return acc + e * e

            s = lax.fori_loop(0, D, dcol, jnp.zeros((LANES,), jnp.float32))
            s = s + jnp.float32(1e-12)
            i = plsc.bitcast(s, jnp.int32)
            y = plsc.bitcast(jnp.int32(0x5F3759DF) - (i >> 1), jnp.float32)
            half_s = jnp.float32(0.5) * s
            for _ in range(3):
                y = y * (jnp.float32(1.5) - half_s * y * y)
            out_v[pl.ds(p * CH + b * LANES, LANES)] = -(s * y)
            return carry

        lax.fori_loop(0, NBLK, block, 0)
        return carry0

    lax.fori_loop(0, NPASS, half, 0)
    pltpu.sync_copy(out_v, out_hbm.at[pl.ds(base, BPW)])


@jax.jit
def _score(triples, entity_emb, relation_emb):
    ent_pack = _pack(entity_emb.T)
    rel_pack = _pack(relation_emb.T)

    mesh = plsc.VectorSubcoreMesh(core_axis_name="c", subcore_axis_name="s")
    run = functools.partial(
        pl.kernel,
        mesh=mesh,
        compiler_params=pltpu.CompilerParams(needs_layout_passes=False),
        out_type=jax.ShapeDtypeStruct((B,), jnp.float32),
        scratch_types=[
            pltpu.VMEM((BPW,), jnp.int32),
            pltpu.VMEM((BPW,), jnp.int32),
            pltpu.VMEM((BPW,), jnp.int32),
            pltpu.VMEM((CH, 2 * D), jnp.float32),
            pltpu.VMEM((CH, 2 * D), jnp.float32),
            pltpu.VMEM((CH, 2 * D), jnp.float32),
            pltpu.VMEM((BPW,), jnp.float32),
            pltpu.SemaphoreType.DMA,
        ],
    )(_tec_body)
    dummy = jnp.zeros((CH, 2 * D), jnp.float32)
    return run(triples[0], triples[1], triples[2], ent_pack, rel_pack, dummy)


def kernel(triples, entity_emb, relation_emb):
    return _score(triples.astype(jnp.int32), entity_emb, relation_emb)

# --- scband reference (transcript-rebuilt; emitter-appended) ---
"""Pipeline reference for scband-embedding-model-base-5454608466245 (READ-ONLY COPY).

The authoritative reference and input builder live on the scoring server;
editing this copy changes nothing except your own understanding.
"""

import jax, jax.numpy as jnp
import numpy as np

N_ENT = 1000000
N_REL = 1000000
D = 64
B = 16384


def setup_inputs(seed: int = 0) -> dict:
    key = jax.random.key(seed)
    k1, k2, k3 = jax.random.split(key, 3)
    triples = jax.random.randint(k1, (3, B), 0, N_ENT, dtype=jnp.int64) if jax.config.jax_enable_x64 else jax.random.randint(k1, (3, B), 0, N_ENT, dtype=jnp.int32)
    entity_emb = jax.random.normal(k2, (N_ENT, D), dtype=jnp.float32)
    relation_emb = jax.random.normal(k3, (N_REL, D), dtype=jnp.float32)
    return {"triples": triples, "entity_emb": entity_emb, "relation_emb": relation_emb}


def reference(triples, entity_emb, relation_emb):
    # encode: embedding lookups for head, tail, relation
    h, t, r = triples[0], triples[1], triples[2]
    he = jnp.take(entity_emb, h, axis=0)
    te = jnp.take(entity_emb, t, axis=0)
    re = jnp.take(relation_emb, r, axis=0)
    # score: TransE-style L2 score (base class score() is abstract; TransE is the canonical concrete impl)
    return -jnp.sqrt(jnp.sum((he + re - te) ** 2, axis=1) + 1e-12)

if __name__ == "__main__":
    import jax
    _d = setup_inputs()
    print(jax.jit(kernel)(*tuple(_d.values())))

</pallas_src>

<mosaic_0001>
#map = affine_map<(d0, d1) -> (0)>
#map1 = affine_map<(d0, d1) -> (0, 0)>
module attributes {stable_mosaic.version = 14 : i64} {
  func.func @_tec_body(%arg0: i32, %arg1: i32, %arg2: memref<16384xi32, #tpu.memory_space<hbm>>, %arg3: memref<16384xi32, #tpu.memory_space<hbm>>, %arg4: memref<16384xi32, #tpu.memory_space<hbm>>, %arg5: memref<500096x128xf32, #tpu.memory_space<hbm>>, %arg6: memref<500096x128xf32, #tpu.memory_space<hbm>>, %arg7: memref<256x128xf32, #tpu.memory_space<hbm>>, %arg8: memref<16384xf32, #tpu.memory_space<hbm>>, %arg9: memref<512xi32, #tpu.memory_space<vmem>>, %arg10: memref<512xi32, #tpu.memory_space<vmem>>, %arg11: memref<512xi32, #tpu.memory_space<vmem>>, %arg12: memref<256x128xf32, #tpu.memory_space<vmem>>, %arg13: memref<256x128xf32, #tpu.memory_space<vmem>>, %arg14: memref<256x128xf32, #tpu.memory_space<vmem>>, %arg15: memref<512xf32, #tpu.memory_space<vmem>>, %arg16: memref<!tpu.dma_semaphore, #tpu.memory_space<semaphore_mem>>) attributes {dimension_semantics = [#tpu.dimension_semantics<core_parallel>, #tpu.dimension_semantics<subcore_parallel>], iteration_bounds = array<i64: 2, 16>, scalar_prefetch = 0 : i64, scratch_operands = 8 : i64, tpu.core_type = #tpu.core_type<sc_vector_subcore>, window_params = [{transform_indices = #map}, {transform_indices = #map}, {transform_indices = #map}, {transform_indices = #map1}, {transform_indices = #map1}, {transform_indices = #map1}, {transform_indices = #map}]} {
    %mul3A = arith.constant 2 : i32
    %mul3A_0 = arith.muli %arg1, %mul3A : i32
    %add3A = arith.addi %mul3A_0, %arg0 : i32
    %mul3A_1 = arith.constant 512 : i32
    %mul3A_2 = arith.muli %add3A, %mul3A_1 : i32
    "tpu.region"() ({
      %run_scoped3A = tpu.sem_alloc : memref<!tpu.dma_semaphore, #tpu.memory_space<semaphore_mem>>
      %dma_start3A = tpu.memref_slice %arg2[%mul3A_2] : memref<16384xi32, #tpu.memory_space<hbm>> -> memref<512xi32, #tpu.memory_space<hbm>>
      %dma_start3A_9 = tpu.memref_slice %arg2[%mul3A_2] : memref<16384xi32, #tpu.memory_space<hbm>> -> memref<512xi32, #tpu.memory_space<hbm>>
      tpu.enqueue_dma source(%dma_start3A_9 : memref<512xi32, #tpu.memory_space<hbm>>) target(%arg9 : memref<512xi32, #tpu.memory_space<vmem>>) target_semaphore(%run_scoped3A : memref<!tpu.dma_semaphore, #tpu.memory_space<semaphore_mem>>)
      %dma_wait3A = tpu.memref_slice %arg2[%mul3A_2] : memref<16384xi32, #tpu.memory_space<hbm>> -> memref<512xi32, #tpu.memory_space<hbm>>
      %dma_wait3A_10 = tpu.memref_slice %arg2[%mul3A_2] : memref<16384xi32, #tpu.memory_space<hbm>> -> memref<512xi32, #tpu.memory_space<hbm>>
      tpu.wait_dma2 semaphore(%run_scoped3A : memref<!tpu.dma_semaphore, #tpu.memory_space<semaphore_mem>>) src(%dma_wait3A_10 : memref<512xi32, #tpu.memory_space<hbm>>) dst(%arg9 : memref<512xi32, #tpu.memory_space<vmem>>)
      tpu.yield
    }) : () -> ()
    "tpu.region"() ({
      %run_scoped3A = tpu.sem_alloc : memref<!tpu.dma_semaphore, #tpu.memory_space<semaphore_mem>>
      %dma_start3A = tpu.memref_slice %arg3[%mul3A_2] : memref<16384xi32, #tpu.memory_space<hbm>> -> memref<512xi32, #tpu.memory_space<hbm>>
      %dma_start3A_9 = tpu.memref_slice %arg3[%mul3A_2] : memref<16384xi32, #tpu.memory_space<hbm>> -> memref<512xi32, #tpu.memory_space<hbm>>
      tpu.enqueue_dma source(%dma_start3A_9 : memref<512xi32, #tpu.memory_space<hbm>>) target(%arg10 : memref<512xi32, #tpu.memory_space<vmem>>) target_semaphore(%run_scoped3A : memref<!tpu.dma_semaphore, #tpu.memory_space<semaphore_mem>>)
      %dma_wait3A = tpu.memref_slice %arg3[%mul3A_2] : memref<16384xi32, #tpu.memory_space<hbm>> -> memref<512xi32, #tpu.memory_space<hbm>>
      %dma_wait3A_10 = tpu.memref_slice %arg3[%mul3A_2] : memref<16384xi32, #tpu.memory_space<hbm>> -> memref<512xi32, #tpu.memory_space<hbm>>
      tpu.wait_dma2 semaphore(%run_scoped3A : memref<!tpu.dma_semaphore, #tpu.memory_space<semaphore_mem>>) src(%dma_wait3A_10 : memref<512xi32, #tpu.memory_space<hbm>>) dst(%arg10 : memref<512xi32, #tpu.memory_space<vmem>>)
      tpu.yield
    }) : () -> ()
    "tpu.region"() ({
      %run_scoped3A = tpu.sem_alloc : memref<!tpu.dma_semaphore, #tpu.memory_space<semaphore_mem>>
      %dma_start3A = tpu.memref_slice %arg4[%mul3A_2] : memref<16384xi32, #tpu.memory_space<hbm>> -> memref<512xi32, #tpu.memory_space<hbm>>
      %dma_start3A_9 = tpu.memref_slice %arg4[%mul3A_2] : memref<16384xi32, #tpu.memory_space<hbm>> -> memref<512xi32, #tpu.memory_space<hbm>>
      tpu.enqueue_dma source(%dma_start3A_9 : memref<512xi32, #tpu.memory_space<hbm>>) target(%arg11 : memref<512xi32, #tpu.memory_space<vmem>>) target_semaphore(%run_scoped3A : memref<!tpu.dma_semaphore, #tpu.memory_space<semaphore_mem>>)
      %dma_wait3A = tpu.memref_slice %arg4[%mul3A_2] : memref<16384xi32, #tpu.memory_space<hbm>> -> memref<512xi32, #tpu.memory_space<hbm>>
      %dma_wait3A_10 = tpu.memref_slice %arg4[%mul3A_2] : memref<16384xi32, #tpu.memory_space<hbm>> -> memref<512xi32, #tpu.memory_space<hbm>>
      tpu.wait_dma2 semaphore(%run_scoped3A : memref<!tpu.dma_semaphore, #tpu.memory_space<semaphore_mem>>) src(%dma_wait3A_10 : memref<512xi32, #tpu.memory_space<hbm>>) dst(%arg11 : memref<512xi32, #tpu.memory_space<vmem>>)
      tpu.yield
    }) : () -> ()
    %iota3A = tpu.iota {dimensions = array<i32: 0>} : vector<16xi32>
    %scan3A = arith.constant 0 : i32
    %scan3A_3 = arith.constant 500096 : i32
    %scan3A_4 = arith.constant 0 : i32
    %scan3A_5 = arith.constant 2 : i32
    %scan3A_6 = arith.addi %scan3A_4, %scan3A_5 : i32
    %scan3A_7 = arith.constant 1 : i32
    scf.for %scan3A_9 = %scan3A_4 to %scan3A_6 step %scan3A_7  : i32 {
      %scan3A_10 = arith.constant 0 : i32
      %scan3A_11 = arith.constant 0 : i32
      %scan3A_12 = arith.constant 16 : i32
      %scan3A_13 = arith.addi %scan3A_11, %scan3A_12 : i32
      %scan3A_14 = arith.constant 1 : i32
      scf.for %scan3A_22 = %scan3A_11 to %scan3A_13 step %scan3A_14  : i32 {
        %mul3A_23 = arith.constant 256 : i32
        %mul3A_24 = arith.muli %scan3A_9, %mul3A_23 : i32
        %mul3A_25 = arith.constant 16 : i32
        %mul3A_26 = arith.muli %scan3A_22, %mul3A_25 : i32
        %add3A_27 = arith.addi %mul3A_24, %mul3A_26 : i32
        %get3A = arith.index_cast %add3A_27 : i32 to index
        %get3A_28 = tpu.vector_load %arg9[%get3A] {strides = array<i32>} : memref<512xi32, #tpu.memory_space<vmem>>, vector<16xi32>,
        %get3A_29 = arith.index_cast %add3A_27 : i32 to index
        %get3A_30 = tpu.vector_load %arg10[%get3A_29] {strides = array<i32>} : memref<512xi32, #tpu.memory_space<vmem>>, vector<16xi32>,
        %get3A_31 = arith.index_cast %add3A_27 : i32 to index
        %get3A_32 = tpu.vector_load %arg11[%get3A_31] {strides = array<i32>} : memref<512xi32, #tpu.memory_space<vmem>>, vector<16xi32>,
        %mul3A_33 = arith.constant 16 : i32
        %mul3A_34 = arith.muli %scan3A_22, %mul3A_33 : i32
        %add3A_35 = arith.constant 0 : i32
        %add3A_36 = arith.addi %mul3A_34, %add3A_35 : i32
        %slice3A = vector.extract_strided_slice %get3A_28 {offsets = [0], sizes = [1], strides = [1]} : vector<16xi32> to vector<1xi32>
        %squeeze3A = vector.extract %slice3A[0] : i32 from vector<1xi32>
        %slice3A_37 = vector.extract_strided_slice %get3A_30 {offsets = [0], sizes = [1], strides = [1]} : vector<16xi32> to vector<1xi32>
        %squeeze3A_38 = vector.extract %slice3A_37[0] : i32 from vector<1xi32>
        %slice3A_39 = vector.extract_strided_slice %get3A_32 {offsets = [0], sizes = [1], strides = [1]} : vector<16xi32> to vector<1xi32>
        %squeeze3A_40 = vector.extract %slice3A_39[0] : i32 from vector<1xi32>
        %ge3A = arith.cmpi sge, %squeeze3A, %scan3A_3 : i32
        %sub3A = arith.subi %squeeze3A, %scan3A_3 : i32
        %select_n3A = arith.select %ge3A, %sub3A, %squeeze3A : i32
        %ge3A_41 = arith.cmpi sge, %squeeze3A_38, %scan3A_3 : i32
        %sub3A_42 = arith.subi %squeeze3A_38, %scan3A_3 : i32
        %select_n3A_43 = arith.select %ge3A_41, %sub3A_42, %squeeze3A_38 : i32
        %ge3A_44 = arith.cmpi sge, %squeeze3A_40, %scan3A_3 : i32
        %sub3A_45 = arith.subi %squeeze3A_40, %scan3A_3 : i32
        %select_n3A_46 = arith.select %ge3A_44, %sub3A_45, %squeeze3A_40 : i32
        %dma_start3A = arith.constant 0 : i32
        %dma_start3A_47 = tpu.memref_slice %arg12[%add3A_36, %dma_start3A] : memref<256x128xf32, #tpu.memory_space<vmem>> -> memref<1x128xf32, #tpu.memory_space<vmem>>
        %dma_start3A_48 = arith.constant 0 : i32
        %dma_start3A_49 = tpu.memref_slice %arg5[%select_n3A, %dma_start3A_48] : memref<500096x128xf32, #tpu.memory_space<hbm>> -> memref<1x128xf32, #tpu.memory_space<hbm>>
        %dma_start3A_50 = arith.constant 0 : i32
        %dma_start3A_51 = tpu.memref_slice %arg12[%add3A_36, %dma_start3A_50] : memref<256x128xf32, #tpu.memory_space<vmem>> -> memref<1x128xf32, #tpu.memory_space<vmem>>
        %dma_start3A_52 = arith.constant 0 : i32
        %dma_start3A_53 = tpu.memref_slice %arg5[%select_n3A, %dma_start3A_52] : memref<500096x128xf32, #tpu.memory_space<hbm>> -> memref<1x128xf32, #tpu.memory_space<hbm>>
        tpu.enqueue_dma source(%dma_start3A_53 : memref<1x128xf32, #tpu.memory_space<hbm>>) target(%dma_start3A_51 : memref<1x128xf32, #tpu.memory_space<vmem>>) target_semaphore(%arg16 : memref<!tpu.dma_semaphore, #tpu.memory_space<semaphore_mem>>)
        %dma_start3A_54 = arith.constant 0 : i32
        %dma_start3A_55 = tpu.memref_slice %arg13[%add3A_36, %dma_start3A_54] : memref<256x128xf32, #tpu.memory_space<vmem>> -> memref<1x128xf32, #tpu.memory_space<vmem>>
        %dma_start3A_56 = arith.constant 0 : i32
        %dma_start3A_57 = tpu.memref_slice %arg5[%select_n3A_43, %dma_start3A_56] : memref<500096x128xf32, #tpu.memory_space<hbm>> -> memref<1x128xf32, #tpu.memory_space<hbm>>
        %dma_start3A_58 = arith.constant 0 : i32
        %dma_start3A_59 = tpu.memref_slice %arg13[%add3A_36, %dma_start3A_58] : memref<256x128xf32, #tpu.memory_space<vmem>> -> memref<1x128xf32, #tpu.memory_space<vmem>>
        %dma_start3A_60 = arith.constant 0 : i32
        %dma_start3A_61 = tpu.memref_slice %arg5[%select_n3A_43, %dma_start3A_60] : memref<500096x128xf32, #tpu.memory_space<hbm>> -> memref<1x128xf32, #tpu.memory_space<hbm>>
        tpu.enqueue_dma source(%dma_start3A_61 : memref<1x128xf32, #tpu.memory_space<hbm>>) target(%dma_start3A_59 : memref<1x128xf32, #tpu.memory_space<vmem>>) target_semaphore(%arg16 : memref<!tpu.dma_semaphore, #tpu.memory_space<semaphore_mem>>)
        %dma_start3A_62 = arith.constant 0 : i32
        %dma_start3A_63 = tpu.memref_slice %arg14[%add3A_36, %dma_start3A_62] : memref<256x128xf32, #tpu.memory_space<vmem>> -> memref<1x128xf32, #tpu.memory_space<vmem>>
        %dma_start3A_64 = arith.constant 0 : i32
        %dma_start3A_65 = tpu.memref_slice %arg6[%select_n3A_46, %dma_start3A_64] : memref<500096x128xf32, #tpu.memory_space<hbm>> -> memref<1x128xf32, #tpu.memory_space<hbm>>
        %dma_start3A_66 = arith.constant 0 : i32
        %dma_start3A_67 = tpu.memref_slice %arg14[%add3A_36, %dma_start3A_66] : memref<256x128xf32, #tpu.memory_space<vmem>> -> memref<1x128xf32, #tpu.memory_space<vmem>>
        %dma_start3A_68 = arith.constant 0 : i32
        %dma_start3A_69 = tpu.memref_slice %arg6[%select_n3A_46, %dma_start3A_68] : memref<500096x128xf32, #tpu.memory_space<hbm>> -> memref<1x128xf32, #tpu.memory_space<hbm>>
        tpu.enqueue_dma source(%dma_start3A_69 : memref<1x128xf32, #tpu.memory_space<hbm>>) target(%dma_start3A_67 : memref<1x128xf32, #tpu.memory_space<vmem>>) target_semaphore(%arg16 : memref<!tpu.dma_semaphore, #tpu.memory_space<semaphore_mem>>)
        %mul3A_70 = arith.constant 16 : i32
        %mul3A_71 = arith.muli %scan3A_22, %mul3A_70 : i32
        %add3A_72 = arith.constant 1 : i32
        %add3A_73 = arith.addi %mul3A_71, %add3A_72 : i32
        %slice3A_74 = vector.extract_strided_slice %get3A_28 {offsets = [1], sizes = [1], strides = [1]} : vector<16xi32> to vector<1xi32>
        %squeeze3A_75 = vector.extract %slice3A_74[0] : i32 from vector<1xi32>
        %slice3A_76 = vector.extract_strided_slice %get3A_30 {offsets = [1], sizes = [1], strides = [1]} : vector<16xi32> to vector<1xi32>
        %squeeze3A_77 = vector.extract %slice3A_76[0] : i32 from vector<1xi32>
        %slice3A_78 = vector.extract_strided_slice %get3A_32 {offsets = [1], sizes = [1], strides = [1]} : vector<16xi32> to vector<1xi32>
        %squeeze3A_79 = vector.extract %slice3A_78[0] : i32 from vector<1xi32>
        %ge3A_80 = arith.cmpi sge, %squeeze3A_75, %scan3A_3 : i32
        %sub3A_81 = arith.subi %squeeze3A_75, %scan3A_3 : i32
        %select_n3A_82 = arith.select %ge3A_80, %sub3A_81, %squeeze3A_75 : i32
        %ge3A_83 = arith.cmpi sge, %squeeze3A_77, %scan3A_3 : i32
        %sub3A_84 = arith.subi %squeeze3A_77, %scan3A_3 : i32
        %select_n3A_85 = arith.select %ge3A_83, %sub3A_84, %squeeze3A_77 : i32
        %ge3A_86 = arith.cmpi sge, %squeeze3A_79, %scan3A_3 : i32
        %sub3A_87 = arith.subi %squeeze3A_79, %scan3A_3 : i32
        %select_n3A_88 = arith.select %ge3A_86, %sub3A_87, %squeeze3A_79 : i32
        %dma_start3A_89 = arith.constant 0 : i32
        %dma_start3A_90 = tpu.memref_slice %arg12[%add3A_73, %dma_start3A_89] : memref<256x128xf32, #tpu.memory_space<vmem>> -> memref<1x128xf32, #tpu.memory_space<vmem>>
        %dma_start3A_91 = arith.constant 0 : i32
        %dma_start3A_92 = tpu.memref_slice %arg5[%select_n3A_82, %dma_start3A_91] : memref<500096x128xf32, #tpu.memory_space<hbm>> -> memref<1x128xf32, #tpu.memory_space<hbm>>
        %dma_start3A_93 = arith.constant 0 : i32
        %dma_start3A_94 = tpu.memref_slice %arg12[%add3A_73, %dma_start3A_93] : memref<256x128xf32, #tpu.memory_space<vmem>> -> memref<1x128xf32, #tpu.memory_space<vmem>>
        %dma_start3A_95 = arith.constant 0 : i32
        %dma_start3A_96 = tpu.memref_slice %arg5[%select_n3A_82, %dma_start3A_95] : memref<500096x128xf32, #tpu.memory_space<hbm>> -> memref<1x128xf32, #tpu.memory_space<hbm>>
        tpu.enqueue_dma source(%dma_start3A_96 : memref<1x128xf32, #tpu.memory_space<hbm>>) target(%dma_start3A_94 : memref<1x128xf32, #tpu.memory_space<vmem>>) target_semaphore(%arg16 : memref<!tpu.dma_semaphore, #tpu.memory_space<semaphore_mem>>)
        %dma_start3A_97 = arith.constant 0 : i32
        %dma_start3A_98 = tpu.memref_slice %arg13[%add3A_73, %dma_start3A_97] : memref<256x128xf32, #tpu.memory_space<vmem>> -> memref<1x128xf32, #tpu.memory_space<vmem>>
        %dma_start3A_99 = arith.constant 0 : i32
        %dma_start3A_100 = tpu.memref_slice %arg5[%select_n3A_85, %dma_start3A_99] : memref<500096x128xf32, #tpu.memory_space<hbm>> -> memref<1x128xf32, #tpu.memory_space<hbm>>
        %dma_start3A_101 = arith.constant 0 : i32
        %dma_start3A_102 = tpu.memref_slice %arg13[%add3A_73, %dma_start3A_101] : memref<256x128xf32, #tpu.memory_space<vmem>> -> memref<1x128xf32, #tpu.memory_space<vmem>>
        %dma_start3A_103 = arith.constant 0 : i32
        %dma_start3A_104 = tpu.memref_slice %arg5[%select_n3A_85, %dma_start3A_103] : memref<500096x128xf32, #tpu.memory_space<hbm>> -> memref<1x128xf32, #tpu.memory_space<hbm>>
        tpu.enqueue_dma source(%dma_start3A_104 : memref<1x128xf32, #tpu.memory_space<hbm>>) target(%dma_start3A_102 : memref<1x128xf32, #tpu.memory_space<vmem>>) target_semaphore(%arg16 : memref<!tpu.dma_semaphore, #tpu.memory_space<semaphore_mem>>)
        %dma_start3A_105 = arith.constant 0 : i32
        %dma_start3A_106 = tpu.memref_slice %arg14[%add3A_73, %dma_start3A_105] : memref<256x128xf32, #tpu.memory_space<vmem>> -> memref<1x128xf32, #tpu.memory_space<vmem>>
        %dma_start3A_107 = arith.constant 0 : i32
        %dma_start3A_108 = tpu.memref_slice %arg6[%select_n3A_88, %dma_start3A_107] : memref<500096x128xf32, #tpu.memory_space<hbm>> -> memref<1x128xf32, #tpu.memory_space<hbm>>
        %dma_start3A_109 = arith.constant 0 : i32
        %dma_start3A_110 = tpu.memref_slice %arg14[%add3A_73, %dma_start3A_109] : memref<256x128xf32, #tpu.memory_space<vmem>> -> memref<1x128xf32, #tpu.memory_space<vmem>>
        %dma_start3A_111 = arith.constant 0 : i32
        %dma_start3A_112 = tpu.memref_slice %arg6[%select_n3A_88, %dma_start3A_111] : memref<500096x128xf32, #tpu.memory_space<hbm>> -> memref<1x128xf32, #tpu.memory_space<hbm>>
        tpu.enqueue_dma source(%dma_start3A_112 : memref<1x128xf32, #tpu.memory_space<hbm>>) target(%dma_start3A_110 : memref<1x128xf32, #tpu.memory_space<vmem>>) target_semaphore(%arg16 : memref<!tpu.dma_semaphore, #tpu.memory_space<semaphore_mem>>)
        %mul3A_113 = arith.constant 16 : i32
        %mul3A_114 = arith.muli %scan3A_22, %mul3A_113 : i32
        %add3A_115 = arith.constant 2 : i32
        %add3A_116 = arith.addi %mul3A_114, %add3A_115 : i32
        %slice3A_117 = vector.extract_strided_slice %get3A_28 {offsets = [2], sizes = [1], strides = [1]} : vector<16xi32> to vector<1xi32>
        %squeeze3A_118 = vector.extract %slice3A_117[0] : i32 from vector<1xi32>
        %slice3A_119 = vector.extract_strided_slice %get3A_30 {offsets = [2], sizes = [1], strides = [1]} : vector<16xi32> to vector<1xi32>
        %squeeze3A_120 = vector.extract %slice3A_119[0] : i32 from vector<1xi32>
        %slice3A_121 = vector.extract_strided_slice %get3A_32 {offsets = [2], sizes = [1], strides = [1]} : vector<16xi32> to vector<1xi32>
        %squeeze3A_122 = vector.extract %slice3A_121[0] : i32 from vector<1xi32>
        %ge3A_123 = arith.cmpi sge, %squeeze3A_118, %scan3A_3 : i32
        %sub3A_124 = arith.subi %squeeze3A_118, %scan3A_3 : i32
        %select_n3A_125 = arith.select %ge3A_123, %sub3A_124, %squeeze3A_118 : i32
        %ge3A_126 = arith.cmpi sge, %squeeze3A_120, %scan3A_3 : i32
        %sub3A_127 = arith.subi %squeeze3A_120, %scan3A_3 : i32
        %select_n3A_128 = arith.select %ge3A_126, %sub3A_127, %squeeze3A_120 : i32
        %ge3A_129 = arith.cmpi sge, %squeeze3A_122, %scan3A_3 : i32
        %sub3A_130 = arith.subi %squeeze3A_122, %scan3A_3 : i32
        %select_n3A_131 = arith.select %ge3A_129, %sub3A_130, %squeeze3A_122 : i32
        %dma_start3A_132 = arith.constant 0 : i32
        %dma_start3A_133 = tpu.memref_slice %arg12[%add3A_116, %dma_start3A_132] : memref<256x128xf32, #tpu.memory_space<vmem>> -> memref<1x128xf32, #tpu.memory_space<vmem>>
        %dma_start3A_134 = arith.constant 0 : i32
        %dma_start3A_135 = tpu.memref_slice %arg5[%select_n3A_125, %dma_start3A_134] : memref<500096x128xf32, #tpu.memory_space<hbm>> -> memref<1x128xf32, #tpu.memory_space<hbm>>
        %dma_start3A_136 = arith.constant 0 : i32
        %dma_start3A_137 = tpu.memref_slice %arg12[%add3A_116, %dma_start3A_136] : memref<256x128xf32, #tpu.memory_space<vmem>> -> memref<1x128xf32, #tpu.memory_space<vmem>>
        %dma_start3A_138 = arith.constant 0 : i32
        %dma_start3A_139 = tpu.memref_slice %arg5[%select_n3A_125, %dma_start3A_138] : memref<500096x128xf32, #tpu.memory_space<hbm>> -> memref<1x128xf32, #tpu.memory_space<hbm>>
        tpu.enqueue_dma source(%dma_start3A_139 : memref<1x128xf32, #tpu.memory_space<hbm>>) target(%dma_start3A_137 : memref<1x128xf32, #tpu.memory_space<vmem>>) target_semaphore(%arg16 : memref<!tpu.dma_semaphore, #tpu.memory_space<semaphore_mem>>)
        %dma_start3A_140 = arith.constant 0 : i32
        %dma_start3A_141 = tpu.memref_slice %arg13[%add3A_116, %dma_start3A_140] : memref<256x128xf32, #tpu.memory_space<vmem>> -> memref<1x128xf32, #tpu.memory_space<vmem>>
        %dma_start3A_142 = arith.constant 0 : i32
        %dma_start3A_143 = tpu.memref_slice %arg5[%select_n3A_128, %dma_start3A_142] : memref<500096x128xf32, #tpu.memory_space<hbm>> -> memref<1x128xf32, #tpu.memory_space<hbm>>
        %dma_start3A_144 = arith.constant 0 : i32
        %dma_start3A_145 = tpu.memref_slice %arg13[%add3A_116, %dma_start3A_144] : memref<256x128xf32, #tpu.memory_space<vmem>> -> memref<1x128xf32, #tpu.memory_space<vmem>>
        %dma_start3A_146 = arith.constant 0 : i32
        %dma_start3A_147 = tpu.memref_slice %arg5[%select_n3A_128, %dma_start3A_146] : memref<500096x128xf32, #tpu.memory_space<hbm>> -> memref<1x128xf32, #tpu.memory_space<hbm>>
        tpu.enqueue_dma source(%dma_start3A_147 : memref<1x128xf32, #tpu.memory_space<hbm>>) target(%dma_start3A_145 : memref<1x128xf32, #tpu.memory_space<vmem>>) target_semaphore(%arg16 : memref<!tpu.dma_semaphore, #tpu.memory_space<semaphore_mem>>)
        %dma_start3A_148 = arith.constant 0 : i32
        %dma_start3A_149 = tpu.memref_slice %arg14[%add3A_116, %dma_start3A_148] : memref<256x128xf32, #tpu.memory_space<vmem>> -> memref<1x128xf32, #tpu.memory_space<vmem>>
        %dma_start3A_150 = arith.constant 0 : i32
        %dma_start3A_151 = tpu.memref_slice %arg6[%select_n3A_131, %dma_start3A_150] : memref<500096x128xf32, #tpu.memory_space<hbm>> -> memref<1x128xf32, #tpu.memory_space<hbm>>
        %dma_start3A_152 = arith.constant 0 : i32
        %dma_start3A_153 = tpu.memref_slice %arg14[%add3A_116, %dma_start3A_152] : memref<256x128xf32, #tpu.memory_space<vmem>> -> memref<1x128xf32, #tpu.memory_space<vmem>>
        %dma_start3A_154 = arith.constant 0 : i32
        %dma_start3A_155 = tpu.memref_slice %arg6[%select_n3A_131, %dma_start3A_154] : memref<500096x128xf32, #tpu.memory_space<hbm>> -> memref<1x128xf32, #tpu.memory_space<hbm>>
        tpu.enqueue_dma source(%dma_start3A_155 : memref<1x128xf32, #tpu.memory_space<hbm>>) target(%dma_start3A_153 : memref<1x128xf32, #tpu.memory_space<vmem>>) target_semaphore(%arg16 : memref<!tpu.dma_semaphore, #tpu.memory_space<semaphore_mem>>)
        %mul3A_156 = arith.constant 16 : i32
        %mul3A_157 = arith.muli %scan3A_22, %mul3A_156 : i32
        %add3A_158 = arith.constant 3 : i32
        %add3A_159 = arith.addi %mul3A_157, %add3A_158 : i32
        %slice3A_160 = vector.extract_strided_slice %get3A_28 {offsets = [3], sizes = [1], strides = [1]} : vector<16xi32> to vector<1xi32>
        %squeeze3A_161 = vector.extract %slice3A_160[0] : i32 from vector<1xi32>
        %slice3A_162 = vector.extract_strided_slice %get3A_30 {offsets = [3], sizes = [1], strides = [1]} : vector<16xi32> to vector<1xi32>
        %squeeze3A_163 = vector.extract %slice3A_162[0] : i32 from vector<1xi32>
        %slice3A_164 = vector.extract_strided_slice %get3A_32 {offsets = [3], sizes = [1], strides = [1]} : vector<16xi32> to vector<1xi32>
        %squeeze3A_165 = vector.extract %slice3A_164[0] : i32 from vector<1xi32>
        %ge3A_166 = arith.cmpi sge, %squeeze3A_161, %scan3A_3 : i32
        %sub3A_167 = arith.subi %squeeze3A_161, %scan3A_3 : i32
        %select_n3A_168 = arith.select %ge3A_166, %sub3A_167, %squeeze3A_161 : i32
        %ge3A_169 = arith.cmpi sge, %squeeze3A_163, %scan3A_3 : i32
        %sub3A_170 = arith.subi %squeeze3A_163, %scan3A_3 : i32
        %select_n3A_171 = arith.select %ge3A_169, %sub3A_170, %squeeze3A_163 : i32
        %ge3A_172 = arith.cmpi sge, %squeeze3A_165, %scan3A_3 : i32
        %sub3A_173 = arith.subi %squeeze3A_165, %scan3A_3 : i32
        %select_n3A_174 = arith.select %ge3A_172, %sub3A_173, %squeeze3A_165 : i32
        %dma_start3A_175 = arith.constant 0 : i32
        %dma_start3A_176 = tpu.memref_slice %arg12[%add3A_159, %dma_start3A_175] : memref<256x128xf32, #tpu.memory_space<vmem>> -> memref<1x128xf32, #tpu.memory_space<vmem>>
        %dma_start3A_177 = arith.constant 0 : i32
        %dma_start3A_178 = tpu.memref_slice %arg5[%select_n3A_168, %dma_start3A_177] : memref<500096x128xf32, #tpu.memory_space<hbm>> -> memref<1x128xf32, #tpu.memory_space<hbm>>
        %dma_start3A_179 = arith.constant 0 : i32
        %dma_start3A_180 = tpu.memref_slice %arg12[%add3A_159, %dma_start3A_179] : memref<256x128xf32, #tpu.memory_space<vmem>> -> memref<1x128xf32, #tpu.memory_space<vmem>>
        %dma_start3A_181 = arith.constant 0 : i32
        %dma_start3A_182 = tpu.memref_slice %arg5[%select_n3A_168, %dma_start3A_181] : memref<500096x128xf32, #tpu.memory_space<hbm>> -> memref<1x128xf32, #tpu.memory_space<hbm>>
        tpu.enqueue_dma source(%dma_start3A_182 : memref<1x128xf32, #tpu.memory_space<hbm>>) target(%dma_start3A_180 : memref<1x128xf32, #tpu.memory_space<vmem>>) target_semaphore(%arg16 : memref<!tpu.dma_semaphore, #tpu.memory_space<semaphore_mem>>)
        %dma_start3A_183 = arith.constant 0 : i32
        %dma_start3A_184 = tpu.memref_slice %arg13[%add3A_159, %dma_start3A_183] : memref<256x128xf32, #tpu.memory_space<vmem>> -> memref<1x128xf32, #tpu.memory_space<vmem>>
        %dma_start3A_185 = arith.constant 0 : i32
        %dma_start3A_186 = tpu.memref_slice %arg5[%select_n3A_171, %dma_start3A_185] : memref<500096x128xf32, #tpu.memory_space<hbm>> -> memref<1x128xf32, #tpu.memory_space<hbm>>
        %dma_start3A_187 = arith.constant 0 : i32
        %dma_start3A_188 = tpu.memref_slice %arg13[%add3A_159, %dma_start3A_187] : memref<256x128xf32, #tpu.memory_space<vmem>> -> memref<1x128xf32, #tpu.memory_space<vmem>>
        %dma_start3A_189 = arith.constant 0 : i32
        %dma_start3A_190 = tpu.memref_slice %arg5[%select_n3A_171, %dma_start3A_189] : memref<500096x128xf32, #tpu.memory_space<hbm>> -> memref<1x128xf32, #tpu.memory_space<hbm>>
        tpu.enqueue_dma source(%dma_start3A_190 : memref<1x128xf32, #tpu.memory_space<hbm>>) target(%dma_start3A_188 : memref<1x128xf32, #tpu.memory_space<vmem>>) target_semaphore(%arg16 : memref<!tpu.dma_semaphore, #tpu.memory_space<semaphore_mem>>)
        %dma_start3A_191 = arith.constant 0 : i32
        %dma_start3A_192 = tpu.memref_slice %arg14[%add3A_159, %dma_start3A_191] : memref<256x128xf32, #tpu.memory_space<vmem>> -> memref<1x128xf32, #tpu.memory_space<vmem>>
        %dma_start3A_193 = arith.constant 0 : i32
        %dma_start3A_194 = tpu.memref_slice %arg6[%select_n3A_174, %dma_start3A_193] : memref<500096x128xf32, #tpu.memory_space<hbm>> -> memref<1x128xf32, #tpu.memory_space<hbm>>
        %dma_start3A_195 = arith.constant 0 : i32
        %dma_start3A_196 = tpu.memref_slice %arg14[%add3A_159, %dma_start3A_195] : memref<256x128xf32, #tpu.memory_space<vmem>> -> memref<1x128xf32, #tpu.memory_space<vmem>>
        %dma_start3A_197 = arith.constant 0 : i32
        %dma_start3A_198 = tpu.memref_slice %arg6[%select_n3A_174, %dma_start3A_197] : memref<500096x128xf32, #tpu.memory_space<hbm>> -> memref<1x128xf32, #tpu.memory_space<hbm>>
        tpu.enqueue_dma source(%dma_start3A_198 : memref<1x128xf32, #tpu.memory_space<hbm>>) target(%dma_start3A_196 : memref<1x128xf32, #tpu.memory_space<vmem>>) target_semaphore(%arg16 : memref<!tpu.dma_semaphore, #tpu.memory_space<semaphore_mem>>)
        %mul3A_199 = arith.constant 16 : i32
        %mul3A_200 = arith.muli %scan3A_22, %mul3A_199 : i32
        %add3A_201 = arith.constant 4 : i32
        %add3A_202 = arith.addi %mul3A_200, %add3A_201 : i32
        %slice3A_203 = vector.extract_strided_slice %get3A_28 {offsets = [4], sizes = [1], strides = [1]} : vector<16xi32> to vector<1xi32>
        %squeeze3A_204 = vector.extract %slice3A_203[0] : i32 from vector<1xi32>
        %slice3A_205 = vector.extract_strided_slice %get3A_30 {offsets = [4], sizes = [1], strides = [1]} : vector<16xi32> to vector<1xi32>
        %squeeze3A_206 = vector.extract %slice3A_205[0] : i32 from vector<1xi32>
        %slice3A_207 = vector.extract_strided_slice %get3A_32 {offsets = [4], sizes = [1], strides = [1]} : vector<16xi32> to vector<1xi32>
        %squeeze3A_208 = vector.extract %slice3A_207[0] : i32 from vector<1xi32>
        %ge3A_209 = arith.cmpi sge, %squeeze3A_204, %scan3A_3 : i32
        %sub3A_210 = arith.subi %squeeze3A_204, %scan3A_3 : i32
        %select_n3A_211 = arith.select %ge3A_209, %sub3A_210, %squeeze3A_204 : i32
        %ge3A_212 = arith.cmpi sge, %squeeze3A_206, %scan3A_3 : i32
        %sub3A_213 = arith.subi %squeeze3A_206, %scan3A_3 : i32
        %select_n3A_214 = arith.select %ge3A_212, %sub3A_213, %squeeze3A_206 : i32
        %ge3A_215 = arith.cmpi sge, %squeeze3A_208, %scan3A_3 : i32
        %sub3A_216 = arith.subi %squeeze3A_208, %scan3A_3 : i32
        %select_n3A_217 = arith.select %ge3A_215, %sub3A_216, %squeeze3A_208 : i32
        %dma_start3A_218 = arith.constant 0 : i32
        %dma_start3A_219 = tpu.memref_slice %arg12[%add3A_202, %dma_start3A_218] : memref<256x128xf32, #tpu.memory_space<vmem>> -> memref<1x128xf32, #tpu.memory_space<vmem>>
        %dma_start3A_220 = arith.constant 0 : i32
        %dma_start3A_221 = tpu.memref_slice %arg5[%select_n3A_211, %dma_start3A_220] : memref<500096x128xf32, #tpu.memory_space<hbm>> -> memref<1x128xf32, #tpu.memory_space<hbm>>
        %dma_start3A_222 = arith.constant 0 : i32
        %dma_start3A_223 = tpu.memref_slice %arg12[%add3A_202, %dma_start3A_222] : memref<256x128xf32, #tpu.memory_space<vmem>> -> memref<1x128xf32, #tpu.memory_space<vmem>>
        %dma_start3A_224 = arith.constant 0 : i32
        %dma_start3A_225 = tpu.memref_slice %arg5[%select_n3A_211, %dma_start3A_224] : memref<500096x128xf32, #tpu.memory_space<hbm>> -> memref<1x128xf32, #tpu.memory_space<hbm>>
        tpu.enqueue_dma source(%dma_start3A_225 : memref<1x128xf32, #tpu.memory_space<hbm>>) target(%dma_start3A_223 : memref<1x128xf32, #tpu.memory_space<vmem>>) target_semaphore(%arg16 : memref<!tpu.dma_semaphore, #tpu.memory_space<semaphore_mem>>)
        %dma_start3A_226 = arith.constant 0 : i32
        %dma_start3A_227 = tpu.memref_slice %arg13[%add3A_202, %dma_start3A_226] : memref<256x128xf32, #tpu.memory_space<vmem>> -> memref<1x128xf32, #tpu.memory_space<vmem>>
        %dma_start3A_228 = arith.constant 0 : i32
        %dma_start3A_229 = tpu.memref_slice %arg5[%select_n3A_214, %dma_start3A_228] : memref<500096x128xf32, #tpu.memory_space<hbm>> -> memref<1x128xf32, #tpu.memory_space<hbm>>
        %dma_start3A_230 = arith.constant 0 : i32
        %dma_start3A_231 = tpu.memref_slice %arg13[%add3A_202, %dma_start3A_230] : memref<256x128xf32, #tpu.memory_space<vmem>> -> memref<1x128xf32, #tpu.memory_space<vmem>>
        %dma_start3A_232 = arith.constant 0 : i32
        %dma_start3A_233 = tpu.memref_slice %arg5[%select_n3A_214, %dma_start3A_232] : memref<500096x128xf32, #tpu.memory_space<hbm>> -> memref<1x128xf32, #tpu.memory_space<hbm>>
        tpu.enqueue_dma source(%dma_start3A_233 : memref<1x128xf32, #tpu.memory_space<hbm>>) target(%dma_start3A_231 : memref<1x128xf32, #tpu.memory_space<vmem>>) target_semaphore(%arg16 : memref<!tpu.dma_semaphore, #tpu.memory_space<semaphore_mem>>)
        %dma_start3A_234 = arith.constant 0 : i32
        %dma_start3A_235 = tpu.memref_slice %arg14[%add3A_202, %dma_start3A_234] : memref<256x128xf32, #tpu.memory_space<vmem>> -> memref<1x128xf32, #tpu.memory_space<vmem>>
        %dma_start3A_236 = arith.constant 0 : i32
        %dma_start3A_237 = tpu.memref_slice %arg6[%select_n3A_217, %dma_start3A_236] : memref<500096x128xf32, #tpu.memory_space<hbm>> -> memref<1x128xf32, #tpu.memory_space<hbm>>
        %dma_start3A_238 = arith.constant 0 : i32
        %dma_start3A_239 = tpu.memref_slice %arg14[%add3A_202, %dma_start3A_238] : memref<256x128xf32, #tpu.memory_space<vmem>> -> memref<1x128xf32, #tpu.memory_space<vmem>>
        %dma_start3A_240 = arith.constant 0 : i32
        %dma_start3A_241 = tpu.memref_slice %arg6[%select_n3A_217, %dma_start3A_240] : memref<500096x128xf32, #tpu.memory_space<hbm>> -> memref<1x128xf32, #tpu.memory_space<hbm>>
        tpu.enqueue_dma source(%dma_start3A_241 : memref<1x128xf32, #tpu.memory_space<hbm>>) target(%dma_start3A_239 : memref<1x128xf32, #tpu.memory_space<vmem>>) target_semaphore(%arg16 : memref<!tpu.dma_semaphore, #tpu.memory_space<semaphore_mem>>)
        %mul3A_242 = arith.constant 16 : i32
        %mul3A_243 = arith.muli %scan3A_22, %mul3A_242 : i32
        %add3A_244 = arith.constant 5 : i32
        %add3A_245 = arith.addi %mul3A_243, %add3A_244 : i32
        %slice3A_246 = vector.extract_strided_slice %get3A_28 {offsets = [5], sizes = [1], strides = [1]} : vector<16xi32> to vector<1xi32>
        %squeeze3A_247 = vector.extract %slice3A_246[0] : i32 from vector<1xi32>
        %slice3A_248 = vector.extract_strided_slice %get3A_30 {offsets = [5], sizes = [1], strides = [1]} : vector<16xi32> to vector<1xi32>
        %squeeze3A_249 = vector.extract %slice3A_248[0] : i32 from vector<1xi32>
        %slice3A_250 = vector.extract_strided_slice %get3A_32 {offsets = [5], sizes = [1], strides = [1]} : vector<16xi32> to vector<1xi32>
        %squeeze3A_251 = vector.extract %slice3A_250[0] : i32 from vector<1xi32>
        %ge3A_252 = arith.cmpi sge, %squeeze3A_247, %scan3A_3 : i32
        %sub3A_253 = arith.subi %squeeze3A_247, %scan3A_3 : i32
        %select_n3A_254 = arith.select %ge3A_252, %sub3A_253, %squeeze3A_247 : i32
        %ge3A_255 = arith.cmpi sge, %squeeze3A_249, %scan3A_3 : i32
        %sub3A_256 = arith.subi %squeeze3A_249, %scan3A_3 : i32
        %select_n3A_257 = arith.select %ge3A_255, %sub3A_256, %squeeze3A_249 : i32
        %ge3A_258 = arith.cmpi sge, %squeeze3A_251, %scan3A_3 : i32
        %sub3A_259 = arith.subi %squeeze3A_251, %scan3A_3 : i32
        %select_n3A_260 = arith.select %ge3A_258, %sub3A_259, %squeeze3A_251 : i32
        %dma_start3A_261 = arith.constant 0 : i32
        %dma_start3A_262 = tpu.memref_slice %arg12[%add3A_245, %dma_start3A_261] : memref<256x128xf32, #tpu.memory_space<vmem>> -> memref<1x128xf32, #tpu.memory_space<vmem>>
        %dma_start3A_263 = arith.constant 0 : i32
        %dma_start3A_264 = tpu.memref_slice %arg5[%select_n3A_254, %dma_start3A_263] : memref<500096x128xf32, #tpu.memory_space<hbm>> -> memref<1x128xf32, #tpu.memory_space<hbm>>
        %dma_start3A_265 = arith.constant 0 : i32
        %dma_start3A_266 = tpu.memref_slice %arg12[%add3A_245, %dma_start3A_265] : memref<256x128xf32, #tpu.memory_space<vmem>> -> memref<1x128xf32, #tpu.memory_space<vmem>>
        %dma_start3A_267 = arith.constant 0 : i32
        %dma_start3A_268 = tpu.memref_slice %arg5[%select_n3A_254, %dma_start3A_267] : memref<500096x128xf32, #tpu.memory_space<hbm>> -> memref<1x128xf32, #tpu.memory_space<hbm>>
        tpu.enqueue_dma source(%dma_start3A_268 : memref<1x128xf32, #tpu.memory_space<hbm>>) target(%dma_start3A_266 : memref<1x128xf32, #tpu.memory_space<vmem>>) target_semaphore(%arg16 : memref<!tpu.dma_semaphore, #tpu.memory_space<semaphore_mem>>)
        %dma_start3A_269 = arith.constant 0 : i32
        %dma_start3A_270 = tpu.memref_slice %arg13[%add3A_245, %dma_start3A_269] : memref<256x128xf32, #tpu.memory_space<vmem>> -> memref<1x128xf32, #tpu.memory_space<vmem>>
        %dma_start3A_271 = arith.constant 0 : i32
        %dma_start3A_272 = tpu.memref_slice %arg5[%select_n3A_257, %dma_start3A_271] : memref<500096x128xf32, #tpu.memory_space<hbm>> -> memref<1x128xf32, #tpu.memory_space<hbm>>
        %dma_start3A_273 = arith.constant 0 : i32
        %dma_start3A_274 = tpu.memref_slice %arg13[%add3A_245, %dma_start3A_273] : memref<256x128xf32, #tpu.memory_space<vmem>> -> memref<1x128xf32, #tpu.memory_space<vmem>>
        %dma_start3A_275 = arith.constant 0 : i32
        %dma_start3A_276 = tpu.memref_slice %arg5[%select_n3A_257, %dma_start3A_275] : memref<500096x128xf32, #tpu.memory_space<hbm>> -> memref<1x128xf32, #tpu.memory_space<hbm>>
        tpu.enqueue_dma source(%dma_start3A_276 : memref<1x128xf32, #tpu.memory_space<hbm>>) target(%dma_start3A_274 : memref<1x128xf32, #tpu.memory_space<vmem>>) target_semaphore(%arg16 : memref<!tpu.dma_semaphore, #tpu.memory_space<semaphore_mem>>)
        %dma_start3A_277 = arith.constant 0 : i32
        %dma_start3A_278 = tpu.memref_slice %arg14[%add3A_245, %dma_start3A_277] : memref<256x128xf32, #tpu.memory_space<vmem>> -> memref<1x128xf32, #tpu.memory_space<vmem>>
        %dma_start3A_279 = arith.constant 0 : i32
        %dma_start3A_280 = tpu.memref_slice %arg6[%select_n3A_260, %dma_start3A_279] : memref<500096x128xf32, #tpu.memory_space<hbm>> -> memref<1x128xf32, #tpu.memory_space<hbm>>
        %dma_start3A_281 = arith.constant 0 : i32
        %dma_start3A_282 = tpu.memref_slice %arg14[%add3A_245, %dma_start3A_281] : memref<256x128xf32, #tpu.memory_space<vmem>> -> memref<1x128xf32, #tpu.memory_space<vmem>>
        %dma_start3A_283 = arith.constant 0 : i32
        %dma_start3A_284 = tpu.memref_slice %arg6[%select_n3A_260, %dma_start3A_283] : memref<500096x128xf32, #tpu.memory_space<hbm>> -> memref<1x128xf32, #tpu.memory_space<hbm>>
        tpu.enqueue_dma source(%dma_start3A_284 : memref<1x128xf32, #tpu.memory_space<hbm>>) target(%dma_start3A_282 : memref<1x128xf32, #tpu.memory_space<vmem>>) target_semaphore(%arg16 : memref<!tpu.dma_semaphore, #tpu.memory_space<semaphore_mem>>)
        %mul3A_285 = arith.constant 16 : i32
        %mul3A_286 = arith.muli %scan3A_22, %mul3A_285 : i32
        %add3A_287 = arith.constant 6 : i32
        %add3A_288 = arith.addi %mul3A_286, %add3A_287 : i32
        %slice3A_289 = vector.extract_strided_slice %get3A_28 {offsets = [6], sizes = [1], strides = [1]} : vector<16xi32> to vector<1xi32>
        %squeeze3A_290 = vector.extract %slice3A_289[0] : i32 from vector<1xi32>
        %slice3A_291 = vector.extract_strided_slice %get3A_30 {offsets = [6], sizes = [1], strides = [1]} : vector<16xi32> to vector<1xi32>
        %squeeze3A_292 = vector.extract %slice3A_291[0] : i32 from vector<1xi32>
        %slice3A_293 = vector.extract_strided_slice %get3A_32 {offsets = [6], sizes = [1], strides = [1]} : vector<16xi32> to vector<1xi32>
        %squeeze3A_294 = vector.extract %slice3A_293[0] : i32 from vector<1xi32>
        %ge3A_295 = arith.cmpi sge, %squeeze3A_290, %scan3A_3 : i32
        %sub3A_296 = arith.subi %squeeze3A_290, %scan3A_3 : i32
        %select_n3A_297 = arith.select %ge3A_295, %sub3A_296, %squeeze3A_290 : i32
        %ge3A_298 = arith.cmpi sge, %squeeze3A_292, %scan3A_3 : i32
        %sub3A_299 = arith.subi %squeeze3A_292, %scan3A_3 : i32
        %select_n3A_300 = arith.select %ge3A_298, %sub3A_299, %squeeze3A_292 : i32
        %ge3A_301 = arith.cmpi sge, %squeeze3A_294, %scan3A_3 : i32
        %sub3A_302 = arith.subi %squeeze3A_294, %scan3A_3 : i32
        %select_n3A_303 = arith.select %ge3A_301, %sub3A_302, %squeeze3A_294 : i32
        %dma_start3A_304 = arith.constant 0 : i32
        %dma_start3A_305 = tpu.memref_slice %arg12[%add3A_288, %dma_start3A_304] : memref<256x128xf32, #tpu.memory_space<vmem>> -> memref<1x128xf32, #tpu.memory_space<vmem>>
        %dma_start3A_306 = arith.constant 0 : i32
        %dma_start3A_307 = tpu.memref_slice %arg5[%select_n3A_297, %dma_start3A_306] : memref<500096x128xf32, #tpu.memory_space<hbm>> -> memref<1x128xf32, #tpu.memory_space<hbm>>
        %dma_start3A_308 = arith.constant 0 : i32
        %dma_start3A_309 = tpu.memref_slice %arg12[%add3A_288, %dma_start3A_308] : memref<256x128xf32, #tpu.memory_space<vmem>> -> memref<1x128xf32, #tpu.memory_space<vmem>>
        %dma_start3A_310 = arith.constant 0 : i32
        %dma_start3A_311 = tpu.memref_slice %arg5[%select_n3A_297, %dma_start3A_310] : memref<500096x128xf32, #tpu.memory_space<hbm>> -> memref<1x128xf32, #tpu.memory_space<hbm>>
        tpu.enqueue_dma source(%dma_start3A_311 : memref<1x128xf32, #tpu.memory_space<hbm>>) target(%dma_start3A_309 : memref<1x128xf32, #tpu.memory_space<vmem>>) target_semaphore(%arg16 : memref<!tpu.dma_semaphore, #tpu.memory_space<semaphore_mem>>)
        %dma_start3A_312 = arith.constant 0 : i32
        %dma_start3A_313 = tpu.memref_slice %arg13[%add3A_288, %dma_start3A_312] : memref<256x128xf32, #tpu.memory_space<vmem>> -> memref<1x128xf32, #tpu.memory_space<vmem>>
        %dma_start3A_314 = arith.constant 0 : i32
        %dma_start3A_315 = tpu.memref_slice %arg5[%select_n3A_300, %dma_start3A_314] : memref<500096x128xf32, #tpu.memory_space<hbm>> -> memref<1x128xf32, #tpu.memory_space<hbm>>
        %dma_start3A_316 = arith.constant 0 : i32
        %dma_start3A_317 = tpu.memref_slice %arg13[%add3A_288, %dma_start3A_316] : memref<256x128xf32, #tpu.memory_space<vmem>> -> memref<1x128xf32, #tpu.memory_space<vmem>>
        %dma_start3A_318 = arith.constant 0 : i32
        %dma_start3A_319 = tpu.memref_slice %arg5[%select_n3A_300, %dma_start3A_318] : memref<500096x128xf32, #tpu.memory_space<hbm>> -> memref<1x128xf32, #tpu.memory_space<hbm>>
        tpu.enqueue_dma source(%dma_start3A_319 : memref<1x128xf32, #tpu.memory_space<hbm>>) target(%dma_start3A_317 : memref<1x128xf32, #tpu.memory_space<vmem>>) target_semaphore(%arg16 : memref<!tpu.dma_semaphore, #tpu.memory_space<semaphore_mem>>)
        %dma_start3A_320 = arith.constant 0 : i32
        %dma_start3A_321 = tpu.memref_slice %arg14[%add3A_288, %dma_start3A_320] : memref<256x128xf32, #tpu.memory_space<vmem>> -> memref<1x128xf32, #tpu.memory_space<vmem>>
        %dma_start3A_322 = arith.constant 0 : i32
        %dma_start3A_323 = tpu.memref_slice %arg6[%select_n3A_303, %dma_start3A_322] : memref<500096x128xf32, #tpu.memory_space<hbm>> -> memref<1x128xf32, #tpu.memory_space<hbm>>
        %dma_start3A_324 = arith.constant 0 : i32
        %dma_start3A_325 = tpu.memref_slice %arg14[%add3A_288, %dma_start3A_324] : memref<256x128xf32, #tpu.memory_space<vmem>> -> memref<1x128xf32, #tpu.memory_space<vmem>>
        %dma_start3A_326 = arith.constant 0 : i32
        %dma_start3A_327 = tpu.memref_slice %arg6[%select_n3A_303, %dma_start3A_326] : memref<500096x128xf32, #tpu.memory_space<hbm>> -> memref<1x128xf32, #tpu.memory_space<hbm>>
        tpu.enqueue_dma source(%dma_start3A_327 : memref<1x128xf32, #tpu.memory_space<hbm>>) target(%dma_start3A_325 : memref<1x128xf32, #tpu.memory_space<vmem>>) target_semaphore(%arg16 : memref<!tpu.dma_semaphore, #tpu.memory_space<semaphore_mem>>)
        %mul3A_328 = arith.constant 16 : i32
        %mul3A_329 = arith.muli %scan3A_22, %mul3A_328 : i32
        %add3A_330 = arith.constant 7 : i32
        %add3A_331 = arith.addi %mul3A_329, %add3A_330 : i32
        %slice3A_332 = vector.extract_strided_slice %get3A_28 {offsets = [7], sizes = [1], strides = [1]} : vector<16xi32> to vector<1xi32>
        %squeeze3A_333 = vector.extract %slice3A_332[0] : i32 from vector<1xi32>
        %slice3A_334 = vector.extract_strided_slice %get3A_30 {offsets = [7], sizes = [1], strides = [1]} : vector<16xi32> to vector<1xi32>
        %squeeze3A_335 = vector.extract %slice3A_334[0] : i32 from vector<1xi32>
        %slice3A_336 = vector.extract_strided_slice %get3A_32 {offsets = [7], sizes = [1], strides = [1]} : vector<16xi32> to vector<1xi32>
        %squeeze3A_337 = vector.extract %slice3A_336[0] : i32 from vector<1xi32>
        %ge3A_338 = arith.cmpi sge, %squeeze3A_333, %scan3A_3 : i32
        %sub3A_339 = arith.subi %squeeze3A_333, %scan3A_3 : i32
        %select_n3A_340 = arith.select %ge3A_338, %sub3A_339, %squeeze3A_333 : i32
        %ge3A_341 = arith.cmpi sge, %squeeze3A_335, %scan3A_3 : i32
        %sub3A_342 = arith.subi %squeeze3A_335, %scan3A_3 : i32
        %select_n3A_343 = arith.select %ge3A_341, %sub3A_342, %squeeze3A_335 : i32
        %ge3A_344 = arith.cmpi sge, %squeeze3A_337, %scan3A_3 : i32
        %sub3A_345 = arith.subi %squeeze3A_337, %scan3A_3 : i32
        %select_n3A_346 = arith.select %ge3A_344, %sub3A_345, %squeeze3A_337 : i32
        %dma_start3A_347 = arith.constant 0 : i32
        %dma_start3A_348 = tpu.memref_slice %arg12[%add3A_331, %dma_start3A_347] : memref<256x128xf32, #tpu.memory_space<vmem>> -> memref<1x128xf32, #tpu.memory_space<vmem>>
        %dma_start3A_349 = arith.constant 0 : i32
        %dma_start3A_350 = tpu.memref_slice %arg5[%select_n3A_340, %dma_start3A_349] : memref<500096x128xf32, #tpu.memory_space<hbm>> -> memref<1x128xf32, #tpu.memory_space<hbm>>
        %dma_start3A_351 = arith.constant 0 : i32
        %dma_start3A_352 = tpu.memref_slice %arg12[%add3A_331, %dma_start3A_351] : memref<256x128xf32, #tpu.memory_space<vmem>> -> memref<1x128xf32, #tpu.memory_space<vmem>>
        %dma_start3A_353 = arith.constant 0 : i32
        %dma_start3A_354 = tpu.memref_slice %arg5[%select_n3A_340, %dma_start3A_353] : memref<500096x128xf32, #tpu.memory_space<hbm>> -> memref<1x128xf32, #tpu.memory_space<hbm>>
        tpu.enqueue_dma source(%dma_start3A_354 : memref<1x128xf32, #tpu.memory_space<hbm>>) target(%dma_start3A_352 : memref<1x128xf32, #tpu.memory_space<vmem>>) target_semaphore(%arg16 : memref<!tpu.dma_semaphore, #tpu.memory_space<semaphore_mem>>)
        %dma_start3A_355 = arith.constant 0 : i32
        %dma_start3A_356 = tpu.memref_slice %arg13[%add3A_331, %dma_start3A_355] : memref<256x128xf32, #tpu.memory_space<vmem>> -> memref<1x128xf32, #tpu.memory_space<vmem>>
        %dma_start3A_357 = arith.constant 0 : i32
        %dma_start3A_358 = tpu.memref_slice %arg5[%select_n3A_343, %dma_start3A_357] : memref<500096x128xf32, #tpu.memory_space<hbm>> -> memref<1x128xf32, #tpu.memory_space<hbm>>
        %dma_start3A_359 = arith.constant 0 : i32
        %dma_start3A_360 = tpu.memref_slice %arg13[%add3A_331, %dma_start3A_359] : memref<256x128xf32, #tpu.memory_space<vmem>> -> memref<1x128xf32, #tpu.memory_space<vmem>>
        %dma_start3A_361 = arith.constant 0 : i32
        %dma_start3A_362 = tpu.memref_slice %arg5[%select_n3A_343, %dma_start3A_361] : memref<500096x128xf32, #tpu.memory_space<hbm>> -> memref<1x128xf32, #tpu.memory_space<hbm>>
        tpu.enqueue_dma source(%dma_start3A_362 : memref<1x128xf32, #tpu.memory_space<hbm>>) target(%dma_start3A_360 : memref<1x128xf32, #tpu.memory_space<vmem>>) target_semaphore(%arg16 : memref<!tpu.dma_semaphore, #tpu.memory_space<semaphore_mem>>)
        %dma_start3A_363 = arith.constant 0 : i32
        %dma_start3A_364 = tpu.memref_slice %arg14[%add3A_331, %dma_start3A_363] : memref<256x128xf32, #tpu.memory_space<vmem>> -> memref<1x128xf32, #tpu.memory_space<vmem>>
        %dma_start3A_365 = arith.constant 0 : i32
        %dma_start3A_366 = tpu.memref_slice %arg6[%select_n3A_346, %dma_start3A_365] : memref<500096x128xf32, #tpu.memory_space<hbm>> -> memref<1x128xf32, #tpu.memory_space<hbm>>
        %dma_start3A_367 = arith.constant 0 : i32
        %dma_start3A_368 = tpu.memref_slice %arg14[%add3A_331, %dma_start3A_367] : memref<256x128xf32, #tpu.memory_space<vmem>> -> memref<1x128xf32, #tpu.memory_space<vmem>>
        %dma_start3A_369 = arith.constant 0 : i32
        %dma_start3A_370 = tpu.memref_slice %arg6[%select_n3A_346, %dma_start3A_369] : memref<500096x128xf32, #tpu.memory_space<hbm>> -> memref<1x128xf32, #tpu.memory_space<hbm>>
        tpu.enqueue_dma source(%dma_start3A_370 : memref<1x128xf32, #tpu.memory_space<hbm>>) target(%dma_start3A_368 : memref<1x128xf32, #tpu.memory_space<vmem>>) target_semaphore(%arg16 : memref<!tpu.dma_semaphore, #tpu.memory_space<semaphore_mem>>)
        %mul3A_371 = arith.constant 16 : i32
        %mul3A_372 = arith.muli %scan3A_22, %mul3A_371 : i32
        %add3A_373 = arith.constant 8 : i32
        %add3A_374 = arith.addi %mul3A_372, %add3A_373 : i32
        %slice3A_375 = vector.extract_strided_slice %get3A_28 {offsets = [8], sizes = [1], strides = [1]} : vector<16xi32> to vector<1xi32>
        %squeeze3A_376 = vector.extract %slice3A_375[0] : i32 from vector<1xi32>
        %slice3A_377 = vector.extract_strided_slice %get3A_30 {offsets = [8], sizes = [1], strides = [1]} : vector<16xi32> to vector<1xi32>
        %squeeze3A_378 = vector.extract %slice3A_377[0] : i32 from vector<1xi32>
        %slice3A_379 = vector.extract_strided_slice %get3A_32 {offsets = [8], sizes = [1], strides = [1]} : vector<16xi32> to vector<1xi32>
        %squeeze3A_380 = vector.extract %slice3A_379[0] : i32 from vector<1xi32>
        %ge3A_381 = arith.cmpi sge, %squeeze3A_376, %scan3A_3 : i32
        %sub3A_382 = arith.subi %squeeze3A_376, %scan3A_3 : i32
        %select_n3A_383 = arith.select %ge3A_381, %sub3A_382, %squeeze3A_376 : i32
        %ge3A_384 = arith.cmpi sge, %squeeze3A_378, %scan3A_3 : i32
        %sub3A_385 = arith.subi %squeeze3A_378, %scan3A_3 : i32
        %select_n3A_386 = arith.select %ge3A_384, %sub3A_385, %squeeze3A_378 : i32
        %ge3A_387 = arith.cmpi sge, %squeeze3A_380, %scan3A_3 : i32
        %sub3A_388 = arith.subi %squeeze3A_380, %scan3A_3 : i32
        %select_n3A_389 = arith.select %ge3A_387, %sub3A_388, %squeeze3A_380 : i32
        %dma_start3A_390 = arith.constant 0 : i32
        %dma_start3A_391 = tpu.memref_slice %arg12[%add3A_374, %dma_start3A_390] : memref<256x128xf32, #tpu.memory_space<vmem>> -> memref<1x128xf32, #tpu.memory_space<vmem>>
        %dma_start3A_392 = arith.constant 0 : i32
        %dma_start3A_393 = tpu.memref_slice %arg5[%select_n3A_383, %dma_start3A_392] : memref<500096x128xf32, #tpu.memory_space<hbm>> -> memref<1x128xf32, #tpu.memory_space<hbm>>
        %dma_start3A_394 = arith.constant 0 : i32
        %dma_start3A_395 = tpu.memref_slice %arg12[%add3A_374, %dma_start3A_394] : memref<256x128xf32, #tpu.memory_space<vmem>> -> memref<1x128xf32, #tpu.memory_space<vmem>>
        %dma_start3A_396 = arith.constant 0 : i32
        %dma_start3A_397 = tpu.memref_slice %arg5[%select_n3A_383, %dma_start3A_396] : memref<500096x128xf32, #tpu.memory_space<hbm>> -> memref<1x128xf32, #tpu.memory_space<hbm>>
        tpu.enqueue_dma source(%dma_start3A_397 : memref<1x128xf32, #tpu.memory_space<hbm>>) target(%dma_start3A_395 : memref<1x128xf32, #tpu.memory_space<vmem>>) target_semaphore(%arg16 : memref<!tpu.dma_semaphore, #tpu.memory_space<semaphore_mem>>)
        %dma_start3A_398 = arith.constant 0 : i32
        %dma_start3A_399 = tpu.memref_slice %arg13[%add3A_374, %dma_start3A_398] : memref<256x128xf32, #tpu.memory_space<vmem>> -> memref<1x128xf32, #tpu.memory_space<vmem>>
        %dma_start3A_400 = arith.constant 0 : i32
        %dma_start3A_401 = tpu.memref_slice %arg5[%select_n3A_386, %dma_start3A_400] : memref<500096x128xf32, #tpu.memory_space<hbm>> -> memref<1x128xf32, #tpu.memory_space<hbm>>
        %dma_start3A_402 = arith.constant 0 : i32
        %dma_start3A_403 = tpu.memref_slice %arg13[%add3A_374, %dma_start3A_402] : memref<256x128xf32, #tpu.memory_space<vmem>> -> memref<1x128xf32, #tpu.memory_space<vmem>>
        %dma_start3A_404 = arith.constant 0 : i32
        %dma_start3A_405 = tpu.memref_slice %arg5[%select_n3A_386, %dma_start3A_404] : memref<500096x128xf32, #tpu.memory_space<hbm>> -> memref<1x128xf32, #tpu.memory_space<hbm>>
        tpu.enqueue_dma source(%dma_start3A_405 : memref<1x128xf32, #tpu.memory_space<hbm>>) target(%dma_start3A_403 : memref<1x128xf32, #tpu.memory_space<vmem>>) target_semaphore(%arg16 : memref<!tpu.dma_semaphore, #tpu.memory_space<semaphore_mem>>)
        %dma_start3A_406 = arith.constant 0 : i32
        %dma_start3A_407 = tpu.memref_slice %arg14[%add3A_374, %dma_start3A_406] : memref<256x128xf32, #tpu.memory_space<vmem>> -> memref<1x128xf32, #tpu.memory_space<vmem>>
        %dma_start3A_408 = arith.constant 0 : i32
        %dma_start3A_409 = tpu.memref_slice %arg6[%select_n3A_389, %dma_start3A_408] : memref<500096x128xf32, #tpu.memory_space<hbm>> -> memref<1x128xf32, #tpu.memory_space<hbm>>
        %dma_start3A_410 = arith.constant 0 : i32
        %dma_start3A_411 = tpu.memref_slice %arg14[%add3A_374, %dma_start3A_410] : memref<256x128xf32, #tpu.memory_space<vmem>> -> memref<1x128xf32, #tpu.memory_space<vmem>>
        %dma_start3A_412 = arith.constant 0 : i32
        %dma_start3A_413 = tpu.memref_slice %arg6[%select_n3A_389, %dma_start3A_412] : memref<500096x128xf32, #tpu.memory_space<hbm>> -> memref<1x128xf32, #tpu.memory_space<hbm>>
        tpu.enqueue_dma source(%dma_start3A_413 : memref<1x128xf32, #tpu.memory_space<hbm>>) target(%dma_start3A_411 : memref<1x128xf32, #tpu.memory_space<vmem>>) target_semaphore(%arg16 : memref<!tpu.dma_semaphore, #tpu.memory_space<semaphore_mem>>)
        %mul3A_414 = arith.constant 16 : i32
        %mul3A_415 = arith.muli %scan3A_22, %mul3A_414 : i32
        %add3A_416 = arith.constant 9 : i32
        %add3A_417 = arith.addi %mul3A_415, %add3A_416 : i32
        %slice3A_418 = vector.extract_strided_slice %get3A_28 {offsets = [9], sizes = [1], strides = [1]} : vector<16xi32> to vector<1xi32>
        %squeeze3A_419 = vector.extract %slice3A_418[0] : i32 from vector<1xi32>
        %slice3A_420 = vector.extract_strided_slice %get3A_30 {offsets = [9], sizes = [1], strides = [1]} : vector<16xi32> to vector<1xi32>
        %squeeze3A_421 = vector.extract %slice3A_420[0] : i32 from vector<1xi32>
        %slice3A_422 = vector.extract_strided_slice %get3A_32 {offsets = [9], sizes = [1], strides = [1]} : vector<16xi32> to vector<1xi32>
        %squeeze3A_423 = vector.extract %slice3A_422[0] : i32 from vector<1xi32>
        %ge3A_424 = arith.cmpi sge, %squeeze3A_419, %scan3A_3 : i32
        %sub3A_425 = arith.subi %squeeze3A_419, %scan3A_3 : i32
        %select_n3A_426 = arith.select %ge3A_424, %sub3A_425, %squeeze3A_419 : i32
        %ge3A_427 = arith.cmpi sge, %squeeze3A_421, %scan3A_3 : i32
        %sub3A_428 = arith.subi %squeeze3A_421, %scan3A_3 : i32
        %select_n3A_429 = arith.select %ge3A_427, %sub3A_428, %squeeze3A_421 : i32
        %ge3A_430 = arith.cmpi sge, %squeeze3A_423, %scan3A_3 : i32
        %sub3A_431 = arith.subi %squeeze3A_423, %scan3A_3 : i32
        %select_n3A_432 = arith.select %ge3A_430, %sub3A_431, %squeeze3A_423 : i32
        %dma_start3A_433 = arith.constant 0 : i32
        %dma_start3A_434 = tpu.memref_slice %arg12[%add3A_417, %dma_start3A_433] : memref<256x128xf32, #tpu.memory_space<vmem>> -> memref<1x128xf32, #tpu.memory_space<vmem>>
        %dma_start3A_435 = arith.constant 0 : i32
        %dma_start3A_436 = tpu.memref_slice %arg5[%select_n3A_426, %dma_start3A_435] : memref<500096x128xf32, #tpu.memory_space<hbm>> -> memref<1x128xf32, #tpu.memory_space<hbm>>
        %dma_start3A_437 = arith.constant 0 : i32
        %dma_start3A_438 = tpu.memref_slice %arg12[%add3A_417, %dma_start3A_437] : memref<256x128xf32, #tpu.memory_space<vmem>> -> memref<1x128xf32, #tpu.memory_space<vmem>>
        %dma_start3A_439 = arith.constant 0 : i32
        %dma_start3A_440 = tpu.memref_slice %arg5[%select_n3A_426, %dma_start3A_439] : memref<500096x128xf32, #tpu.memory_space<hbm>> -> memref<1x128xf32, #tpu.memory_space<hbm>>
        tpu.enqueue_dma source(%dma_start3A_440 : memref<1x128xf32, #tpu.memory_space<hbm>>) target(%dma_start3A_438 : memref<1x128xf32, #tpu.memory_space<vmem>>) target_semaphore(%arg16 : memref<!tpu.dma_semaphore, #tpu.memory_space<semaphore_mem>>)
        %dma_start3A_441 = arith.constant 0 : i32
        %dma_start3A_442 = tpu.memref_slice %arg13[%add3A_417, %dma_start3A_441] : memref<256x128xf32, #tpu.memory_space<vmem>> -> memref<1x128xf32, #tpu.memory_space<vmem>>
        %dma_start3A_443 = arith.constant 0 : i32
        %dma_start3A_444 = tpu.memref_slice %arg5[%select_n3A_429, %dma_start3A_443] : memref<500096x128xf32, #tpu.memory_space<hbm>> -> memref<1x128xf32, #tpu.memory_space<hbm>>
        %dma_start3A_445 = arith.constant 0 : i32
        %dma_start3A_446 = tpu.memref_slice %arg13[%add3A_417, %dma_start3A_445] : memref<256x128xf32, #tpu.memory_space<vmem>> -> memref<1x128xf32, #tpu.memory_space<vmem>>
        %dma_start3A_447 = arith.constant 0 : i32
        %dma_start3A_448 = tpu.memref_slice %arg5[%select_n3A_429, %dma_start3A_447] : memref<500096x128xf32, #tpu.memory_space<hbm>> -> memref<1x128xf32, #tpu.memory_space<hbm>>
        tpu.enqueue_dma source(%dma_start3A_448 : memref<1x128xf32, #tpu.memory_space<hbm>>) target(%dma_start3A_446 : memref<1x128xf32, #tpu.memory_space<vmem>>) target_semaphore(%arg16 : memref<!tpu.dma_semaphore, #tpu.memory_space<semaphore_mem>>)
        %dma_start3A_449 = arith.constant 0 : i32
        %dma_start3A_450 = tpu.memref_slice %arg14[%add3A_417, %dma_start3A_449] : memref<256x128xf32, #tpu.memory_space<vmem>> -> memref<1x128xf32, #tpu.memory_space<vmem>>
        %dma_start3A_451 = arith.constant 0 : i32
        %dma_start3A_452 = tpu.memref_slice %arg6[%select_n3A_432, %dma_start3A_451] : memref<500096x128xf32, #tpu.memory_space<hbm>> -> memref<1x128xf32, #tpu.memory_space<hbm>>
        %dma_start3A_453 = arith.constant 0 : i32
        %dma_start3A_454 = tpu.memref_slice %arg14[%add3A_417, %dma_start3A_453] : memref<256x128xf32, #tpu.memory_space<vmem>> -> memref<1x128xf32, #tpu.memory_space<vmem>>
        %dma_start3A_455 = arith.constant 0 : i32
        %dma_start3A_456 = tpu.memref_slice %arg6[%select_n3A_432, %dma_start3A_455] : memref<500096x128xf32, #tpu.memory_space<hbm>> -> memref<1x128xf32, #tpu.memory_space<hbm>>
        tpu.enqueue_dma source(%dma_start3A_456 : memref<1x128xf32, #tpu.memory_space<hbm>>) target(%dma_start3A_454 : memref<1x128xf32, #tpu.memory_space<vmem>>) target_semaphore(%arg16 : memref<!tpu.dma_semaphore, #tpu.memory_space<semaphore_mem>>)
        %mul3A_457 = arith.constant 16 : i32
        %mul3A_458 = arith.muli %scan3A_22, %mul3A_457 : i32
        %add3A_459 = arith.constant 10 : i32
        %add3A_460 = arith.addi %mul3A_458, %add3A_459 : i32
        %slice3A_461 = vector.extract_strided_slice %get3A_28 {offsets = [10], sizes = [1], strides = [1]} : vector<16xi32> to vector<1xi32>
        %squeeze3A_462 = vector.extract %slice3A_461[0] : i32 from vector<1xi32>
        %slice3A_463 = vector.extract_strided_slice %get3A_30 {offsets = [10], sizes = [1], strides = [1]} : vector<16xi32> to vector<1xi32>
        %squeeze3A_464 = vector.extract %slice3A_463[0] : i32 from vector<1xi32>
        %slice3A_465 = vector.extract_strided_slice %get3A_32 {offsets = [10], sizes = [1], strides = [1]} : vector<16xi32> to vector<1xi32>
        %squeeze3A_466 = vector.extract %slice3A_465[0] : i32 from vector<1xi32>
        %ge3A_467 = arith.cmpi sge, %squeeze3A_462, %scan3A_3 : i32
        %sub3A_468 = arith.subi %squeeze3A_462, %scan3A_3 : i32
        %select_n3A_469 = arith.select %ge3A_467, %sub3A_468, %squeeze3A_462 : i32
        %ge3A_470 = arith.cmpi sge, %squeeze3A_464, %scan3A_3 : i32
        %sub3A_471 = arith.subi %squeeze3A_464, %scan3A_3 : i32
        %select_n3A_472 = arith.select %ge3A_470, %sub3A_471, %squeeze3A_464 : i32
        %ge3A_473 = arith.cmpi sge, %squeeze3A_466, %scan3A_3 : i32
        %sub3A_474 = arith.subi %squeeze3A_466, %scan3A_3 : i32
        %select_n3A_475 = arith.select %ge3A_473, %sub3A_474, %squeeze3A_466 : i32
        %dma_start3A_476 = arith.constant 0 : i32
        %dma_start3A_477 = tpu.memref_slice %arg12[%add3A_460, %dma_start3A_476] : memref<256x128xf32, #tpu.memory_space<vmem>> -> memref<1x128xf32, #tpu.memory_space<vmem>>
        %dma_start3A_478 = arith.constant 0 : i32
        %dma_start3A_479 = tpu.memref_slice %arg5[%select_n3A_469, %dma_start3A_478] : memref<500096x128xf32, #tpu.memory_space<hbm>> -> memref<1x128xf32, #tpu.memory_space<hbm>>
        %dma_start3A_480 = arith.constant 0 : i32
        %dma_start3A_481 = tpu.memref_slice %arg12[%add3A_460, %dma_start3A_480] : memref<256x128xf32, #tpu.memory_space<vmem>> -> memref<1x128xf32, #tpu.memory_space<vmem>>
        %dma_start3A_482 = arith.constant 0 : i32
        %dma_start3A_483 = tpu.memref_slice %arg5[%select_n3A_469, %dma_start3A_482] : memref<500096x128xf32, #tpu.memory_space<hbm>> -> memref<1x128xf32, #tpu.memory_space<hbm>>
        tpu.enqueue_dma source(%dma_start3A_483 : memref<1x128xf32, #tpu.memory_space<hbm>>) target(%dma_start3A_481 : memref<1x128xf32, #tpu.memory_space<vmem>>) target_semaphore(%arg16 : memref<!tpu.dma_semaphore, #tpu.memory_space<semaphore_mem>>)
        %dma_start3A_484 = arith.constant 0 : i32
        %dma_start3A_485 = tpu.memref_slice %arg13[%add3A_460, %dma_start3A_484] : memref<256x128xf32, #tpu.memory_space<vmem>> -> memref<1x128xf32, #tpu.memory_space<vmem>>
        %dma_start3A_486 = arith.constant 0 : i32
        %dma_start3A_487 = tpu.memref_slice %arg5[%select_n3A_472, %dma_start3A_486] : memref<500096x128xf32, #tpu.memory_space<hbm>> -> memref<1x128xf32, #tpu.memory_space<hbm>>
        %dma_start3A_488 = arith.constant 0 : i32
        %dma_start3A_489 = tpu.memref_slice %arg13[%add3A_460, %dma_start3A_488] : memref<256x128xf32, #tpu.memory_space<vmem>> -> memref<1x128xf32, #tpu.memory_space<vmem>>
        %dma_start3A_490 = arith.constant 0 : i32
        %dma_start3A_491 = tpu.memref_slice %arg5[%select_n3A_472, %dma_start3A_490] : memref<500096x128xf32, #tpu.memory_space<hbm>> -> memref<1x128xf32, #tpu.memory_space<hbm>>
        tpu.enqueue_dma source(%dma_start3A_491 : memref<1x128xf32, #tpu.memory_space<hbm>>) target(%dma_start3A_489 : memref<1x128xf32, #tpu.memory_space<vmem>>) target_semaphore(%arg16 : memref<!tpu.dma_semaphore, #tpu.memory_space<semaphore_mem>>)
        %dma_start3A_492 = arith.constant 0 : i32
        %dma_start3A_493 = tpu.memref_slice %arg14[%add3A_460, %dma_start3A_492] : memref<256x128xf32, #tpu.memory_space<vmem>> -> memref<1x128xf32, #tpu.memory_space<vmem>>
        %dma_start3A_494 = arith.constant 0 : i32
        %dma_start3A_495 = tpu.memref_slice %arg6[%select_n3A_475, %dma_start3A_494] : memref<500096x128xf32, #tpu.memory_space<hbm>> -> memref<1x128xf32, #tpu.memory_space<hbm>>
        %dma_start3A_496 = arith.constant 0 : i32
        %dma_start3A_497 = tpu.memref_slice %arg14[%add3A_460, %dma_start3A_496] : memref<256x128xf32, #tpu.memory_space<vmem>> -> memref<1x128xf32, #tpu.memory_space<vmem>>
        %dma_start3A_498 = arith.constant 0 : i32
        %dma_start3A_499 = tpu.memref_slice %arg6[%select_n3A_475, %dma_start3A_498] : memref<500096x128xf32, #tpu.memory_space<hbm>> -> memref<1x128xf32, #tpu.memory_space<hbm>>
        tpu.enqueue_dma source(%dma_start3A_499 : memref<1x128xf32, #tpu.memory_space<hbm>>) target(%dma_start3A_497 : memref<1x128xf32, #tpu.memory_space<vmem>>) target_semaphore(%arg16 : memref<!tpu.dma_semaphore, #tpu.memory_space<semaphore_mem>>)
        %mul3A_500 = arith.constant 16 : i32
        %mul3A_501 = arith.muli %scan3A_22, %mul3A_500 : i32
        %add3A_502 = arith.constant 11 : i32
        %add3A_503 = arith.addi %mul3A_501, %add3A_502 : i32
        %slice3A_504 = vector.extract_strided_slice %get3A_28 {offsets = [11], sizes = [1], strides = [1]} : vector<16xi32> to vector<1xi32>
        %squeeze3A_505 = vector.extract %slice3A_504[0] : i32 from vector<1xi32>
        %slice3A_506 = vector.extract_strided_slice %get3A_30 {offsets = [11], sizes = [1], strides = [1]} : vector<16xi32> to vector<1xi32>
        %squeeze3A_507 = vector.extract %slice3A_506[0] : i32 from vector<1xi32>
        %slice3A_508 = vector.extract_strided_slice %get3A_32 {offsets = [11], sizes = [1], strides = [1]} : vector<16xi32> to vector<1xi32>
        %squeeze3A_509 = vector.extract %slice3A_508[0] : i32 from vector<1xi32>
        %ge3A_510 = arith.cmpi sge, %squeeze3A_505, %scan3A_3 : i32
        %sub3A_511 = arith.subi %squeeze3A_505, %scan3A_3 : i32
        %select_n3A_512 = arith.select %ge3A_510, %sub3A_511, %squeeze3A_505 : i32
        %ge3A_513 = arith.cmpi sge, %squeeze3A_507, %scan3A_3 : i32
        %sub3A_514 = arith.subi %squeeze3A_507, %scan3A_3 : i32
        %select_n3A_515 = arith.select %ge3A_513, %sub3A_514, %squeeze3A_507 : i32
        %ge3A_516 = arith.cmpi sge, %squeeze3A_509, %scan3A_3 : i32
        %sub3A_517 = arith.subi %squeeze3A_509, %scan3A_3 : i32
        %select_n3A_518 = arith.select %ge3A_516, %sub3A_517, %squeeze3A_509 : i32
        %dma_start3A_519 = arith.constant 0 : i32
        %dma_start3A_520 = tpu.memref_slice %arg12[%add3A_503, %dma_start3A_519] : memref<256x128xf32, #tpu.memory_space<vmem>> -> memref<1x128xf32, #tpu.memory_space<vmem>>
        %dma_start3A_521 = arith.constant 0 : i32
        %dma_start3A_522 = tpu.memref_slice %arg5[%select_n3A_512, %dma_start3A_521] : memref<500096x128xf32, #tpu.memory_space<hbm>> -> memref<1x128xf32, #tpu.memory_space<hbm>>
        %dma_start3A_523 = arith.constant 0 : i32
        %dma_start3A_524 = tpu.memref_slice %arg12[%add3A_503, %dma_start3A_523] : memref<256x128xf32, #tpu.memory_space<vmem>> -> memref<1x128xf32, #tpu.memory_space<vmem>>
        %dma_start3A_525 = arith.constant 0 : i32
        %dma_start3A_526 = tpu.memref_slice %arg5[%select_n3A_512, %dma_start3A_525] : memref<500096x128xf32, #tpu.memory_space<hbm>> -> memref<1x128xf32, #tpu.memory_space<hbm>>
        tpu.enqueue_dma source(%dma_start3A_526 : memref<1x128xf32, #tpu.memory_space<hbm>>) target(%dma_start3A_524 : memref<1x128xf32, #tpu.memory_space<vmem>>) target_semaphore(%arg16 : memref<!tpu.dma_semaphore, #tpu.memory_space<semaphore_mem>>)
        %dma_start3A_527 = arith.constant 0 : i32
        %dma_start3A_528 = tpu.memref_slice %arg13[%add3A_503, %dma_start3A_527] : memref<256x128xf32, #tpu.memory_space<vmem>> -> memref<1x128xf32, #tpu.memory_space<vmem>>
        %dma_start3A_529 = arith.constant 0 : i32
        %dma_start3A_530 = tpu.memref_slice %arg5[%select_n3A_515, %dma_start3A_529] : memref<500096x128xf32, #tpu.memory_space<hbm>> -> memref<1x128xf32, #tpu.memory_space<hbm>>
        %dma_start3A_531 = arith.constant 0 : i32
        %dma_start3A_532 = tpu.memref_slice %arg13[%add3A_503, %dma_start3A_531] : memref<256x128xf32, #tpu.memory_space<vmem>> -> memref<1x128xf32, #tpu.memory_space<vmem>>
        %dma_start3A_533 = arith.constant 0 : i32
        %dma_start3A_534 = tpu.memref_slice %arg5[%select_n3A_515, %dma_start3A_533] : memref<500096x128xf32, #tpu.memory_space<hbm>> -> memref<1x128xf32, #tpu.memory_space<hbm>>
        tpu.enqueue_dma source(%dma_start3A_534 : memref<1x128xf32, #tpu.memory_space<hbm>>) target(%dma_start3A_532 : memref<1x128xf32, #tpu.memory_space<vmem>>) target_semaphore(%arg16 : memref<!tpu.dma_semaphore, #tpu.memory_space<semaphore_mem>>)
        %dma_start3A_535 = arith.constant 0 : i32
        %dma_start3A_536 = tpu.memref_slice %arg14[%add3A_503, %dma_start3A_535] : memref<256x128xf32, #tpu.memory_space<vmem>> -> memref<1x128xf32, #tpu.memory_space<vmem>>
        %dma_start3A_537 = arith.constant 0 : i32
        %dma_start3A_538 = tpu.memref_slice %arg6[%select_n3A_518, %dma_start3A_537] : memref<500096x128xf32, #tpu.memory_space<hbm>> -> memref<1x128xf32, #tpu.memory_space<hbm>>
        %dma_start3A_539 = arith.constant 0 : i32
        %dma_start3A_540 = tpu.memref_slice %arg14[%add3A_503, %dma_start3A_539] : memref<256x128xf32, #tpu.memory_space<vmem>> -> memref<1x128xf32, #tpu.memory_space<vmem>>
        %dma_start3A_541 = arith.constant 0 : i32
        %dma_start3A_542 = tpu.memref_slice %arg6[%select_n3A_518, %dma_start3A_541] : memref<500096x128xf32, #tpu.memory_space<hbm>> -> memref<1x128xf32, #tpu.memory_space<hbm>>
        tpu.enqueue_dma source(%dma_start3A_542 : memref<1x128xf32, #tpu.memory_space<hbm>>) target(%dma_start3A_540 : memref<1x128xf32, #tpu.memory_space<vmem>>) target_semaphore(%arg16 : memref<!tpu.dma_semaphore, #tpu.memory_space<semaphore_mem>>)
        %mul3A_543 = arith.constant 16 : i32
        %mul3A_544 = arith.muli %scan3A_22, %mul3A_543 : i32
        %add3A_545 = arith.constant 12 : i32
        %add3A_546 = arith.addi %mul3A_544, %add3A_545 : i32
        %slice3A_547 = vector.extract_strided_slice %get3A_28 {offsets = [12], sizes = [1], strides = [1]} : vector<16xi32> to vector<1xi32>
        %squeeze3A_548 = vector.extract %slice3A_547[0] : i32 from vector<1xi32>
        %slice3A_549 = vector.extract_strided_slice %get3A_30 {offsets = [12], sizes = [1], strides = [1]} : vector<16xi32> to vector<1xi32>
        %squeeze3A_550 = vector.extract %slice3A_549[0] : i32 from vector<1xi32>
        %slice3A_551 = vector.extract_strided_slice %get3A_32 {offsets = [12], sizes = [1], strides = [1]} : vector<16xi32> to vector<1xi32>
        %squeeze3A_552 = vector.extract %slice3A_551[0] : i32 from vector<1xi32>
        %ge3A_553 = arith.cmpi sge, %squeeze3A_548, %scan3A_3 : i32
        %sub3A_554 = arith.subi %squeeze3A_548, %scan3A_3 : i32
        %select_n3A_555 = arith.select %ge3A_553, %sub3A_554, %squeeze3A_548 : i32
        %ge3A_556 = arith.cmpi sge, %squeeze3A_550, %scan3A_3 : i32
        %sub3A_557 = arith.subi %squeeze3A_550, %scan3A_3 : i32
        %select_n3A_558 = arith.select %ge3A_556, %sub3A_557, %squeeze3A_550 : i32
        %ge3A_559 = arith.cmpi sge, %squeeze3A_552, %scan3A_3 : i32
        %sub3A_560 = arith.subi %squeeze3A_552, %scan3A_3 : i32
        %select_n3A_561 = arith.select %ge3A_559, %sub3A_560, %squeeze3A_552 : i32
        %dma_start3A_562 = arith.constant 0 : i32
        %dma_start3A_563 = tpu.memref_slice %arg12[%add3A_546, %dma_start3A_562] : memref<256x128xf32, #tpu.memory_space<vmem>> -> memref<1x128xf32, #tpu.memory_space<vmem>>
        %dma_start3A_564 = arith.constant 0 : i32
        %dma_start3A_565 = tpu.memref_slice %arg5[%select_n3A_555, %dma_start3A_564] : memref<500096x128xf32, #tpu.memory_space<hbm>> -> memref<1x128xf32, #tpu.memory_space<hbm>>
        %dma_start3A_566 = arith.constant 0 : i32
        %dma_start3A_567 = tpu.memref_slice %arg12[%add3A_546, %dma_start3A_566] : memref<256x128xf32, #tpu.memory_space<vmem>> -> memref<1x128xf32, #tpu.memory_space<vmem>>
        %dma_start3A_568 = arith.constant 0 : i32
        %dma_start3A_569 = tpu.memref_slice %arg5[%select_n3A_555, %dma_start3A_568] : memref<500096x128xf32, #tpu.memory_space<hbm>> -> memref<1x128xf32, #tpu.memory_space<hbm>>
        tpu.enqueue_dma source(%dma_start3A_569 : memref<1x128xf32, #tpu.memory_space<hbm>>) target(%dma_start3A_567 : memref<1x128xf32, #tpu.memory_space<vmem>>) target_semaphore(%arg16 : memref<!tpu.dma_semaphore, #tpu.memory_space<semaphore_mem>>)
        %dma_start3A_570 = arith.constant 0 : i32
        %dma_start3A_571 = tpu.memref_slice %arg13[%add3A_546, %dma_start3A_570] : memref<256x128xf32, #tpu.memory_space<vmem>> -> memref<1x128xf32, #tpu.memory_space<vmem>>
        %dma_start3A_572 = arith.constant 0 : i32
        %dma_start3A_573 = tpu.memref_slice %arg5[%select_n3A_558, %dma_start3A_572] : memref<500096x128xf32, #tpu.memory_space<hbm>> -> memref<1x128xf32, #tpu.memory_space<hbm>>
        %dma_start3A_574 = arith.constant 0 : i32
        %dma_start3A_575 = tpu.memref_slice %arg13[%add3A_546, %dma_start3A_574] : memref<256x128xf32, #tpu.memory_space<vmem>> -> memref<1x128xf32, #tpu.memory_space<vmem>>
        %dma_start3A_576 = arith.constant 0 : i32
        %dma_start3A_577 = tpu.memref_slice %arg5[%select_n3A_558, %dma_start3A_576] : memref<500096x128xf32, #tpu.memory_space<hbm>> -> memref<1x128xf32, #tpu.memory_space<hbm>>
        tpu.enqueue_dma source(%dma_start3A_577 : memref<1x128xf32, #tpu.memory_space<hbm>>) target(%dma_start3A_575 : memref<1x128xf32, #tpu.memory_space<vmem>>) target_semaphore(%arg16 : memref<!tpu.dma_semaphore, #tpu.memory_space<semaphore_mem>>)
        %dma_start3A_578 = arith.constant 0 : i32
        %dma_start3A_579 = tpu.memref_slice %arg14[%add3A_546, %dma_start3A_578] : memref<256x128xf32, #tpu.memory_space<vmem>> -> memref<1x128xf32, #tpu.memory_space<vmem>>
        %dma_start3A_580 = arith.constant 0 : i32
        %dma_start3A_581 = tpu.memref_slice %arg6[%select_n3A_561, %dma_start3A_580] : memref<500096x128xf32, #tpu.memory_space<hbm>> -> memref<1x128xf32, #tpu.memory_space<hbm>>
        %dma_start3A_582 = arith.constant 0 : i32
        %dma_start3A_583 = tpu.memref_slice %arg14[%add3A_546, %dma_start3A_582] : memref<256x128xf32, #tpu.memory_space<vmem>> -> memref<1x128xf32, #tpu.memory_space<vmem>>
        %dma_start3A_584 = arith.constant 0 : i32
        %dma_start3A_585 = tpu.memref_slice %arg6[%select_n3A_561, %dma_start3A_584] : memref<500096x128xf32, #tpu.memory_space<hbm>> -> memref<1x128xf32, #tpu.memory_space<hbm>>
        tpu.enqueue_dma source(%dma_start3A_585 : memref<1x128xf32, #tpu.memory_space<hbm>>) target(%dma_start3A_583 : memref<1x128xf32, #tpu.memory_space<vmem>>) target_semaphore(%arg16 : memref<!tpu.dma_semaphore, #tpu.memory_space<semaphore_mem>>)
        %mul3A_586 = arith.constant 16 : i32
        %mul3A_587 = arith.muli %scan3A_22, %mul3A_586 : i32
        %add3A_588 = arith.constant 13 : i32
        %add3A_589 = arith.addi %mul3A_587, %add3A_588 : i32
        %slice3A_590 = vector.extract_strided_slice %get3A_28 {offsets = [13], sizes = [1], strides = [1]} : vector<16xi32> to vector<1xi32>
        %squeeze3A_591 = vector.extract %slice3A_590[0] : i32 from vector<1xi32>
        %slice3A_592 = vector.extract_strided_slice %get3A_30 {offsets = [13], sizes = [1], strides = [1]} : vector<16xi32> to vector<1xi32>
        %squeeze3A_593 = vector.extract %slice3A_592[0] : i32 from vector<1xi32>
        %slice3A_594 = vector.extract_strided_slice %get3A_32 {offsets = [13], sizes = [1], strides = [1]} : vector<16xi32> to vector<1xi32>
        %squeeze3A_595 = vector.extract %slice3A_594[0] : i32 from vector<1xi32>
        %ge3A_596 = arith.cmpi sge, %squeeze3A_591, %scan3A_3 : i32
        %sub3A_597 = arith.subi %squeeze3A_591, %scan3A_3 : i32
        %select_n3A_598 = arith.select %ge3A_596, %sub3A_597, %squeeze3A_591 : i32
        %ge3A_599 = arith.cmpi sge, %squeeze3A_593, %scan3A_3 : i32
        %sub3A_600 = arith.subi %squeeze3A_593, %scan3A_3 : i32
        %select_n3A_601 = arith.select %ge3A_599, %sub3A_600, %squeeze3A_593 : i32
        %ge3A_602 = arith.cmpi sge, %squeeze3A_595, %scan3A_3 : i32
        %sub3A_603 = arith.subi %squeeze3A_595, %scan3A_3 : i32
        %select_n3A_604 = arith.select %ge3A_602, %sub3A_603, %squeeze3A_595 : i32
        %dma_start3A_605 = arith.constant 0 : i32
        %dma_start3A_606 = tpu.memref_slice %arg12[%add3A_589, %dma_start3A_605] : memref<256x128xf32, #tpu.memory_space<vmem>> -> memref<1x128xf32, #tpu.memory_space<vmem>>
        %dma_start3A_607 = arith.constant 0 : i32
        %dma_start3A_608 = tpu.memref_slice %arg5[%select_n3A_598, %dma_start3A_607] : memref<500096x128xf32, #tpu.memory_space<hbm>> -> memref<1x128xf32, #tpu.memory_space<hbm>>
        %dma_start3A_609 = arith.constant 0 : i32
        %dma_start3A_610 = tpu.memref_slice %arg12[%add3A_589, %dma_start3A_609] : memref<256x128xf32, #tpu.memory_space<vmem>> -> memref<1x128xf32, #tpu.memory_space<vmem>>
        %dma_start3A_611 = arith.constant 0 : i32
        %dma_start3A_612 = tpu.memref_slice %arg5[%select_n3A_598, %dma_start3A_611] : memref<500096x128xf32, #tpu.memory_space<hbm>> -> memref<1x128xf32, #tpu.memory_space<hbm>>
        tpu.enqueue_dma source(%dma_start3A_612 : memref<1x128xf32, #tpu.memory_space<hbm>>) target(%dma_start3A_610 : memref<1x128xf32, #tpu.memory_space<vmem>>) target_semaphore(%arg16 : memref<!tpu.dma_semaphore, #tpu.memory_space<semaphore_mem>>)
        %dma_start3A_613 = arith.constant 0 : i32
        %dma_start3A_614 = tpu.memref_slice %arg13[%add3A_589, %dma_start3A_613] : memref<256x128xf32, #tpu.memory_space<vmem>> -> memref<1x128xf32, #tpu.memory_space<vmem>>
        %dma_start3A_615 = arith.constant 0 : i32
        %dma_start3A_616 = tpu.memref_slice %arg5[%select_n3A_601, %dma_start3A_615] : memref<500096x128xf32, #tpu.memory_space<hbm>> -> memref<1x128xf32, #tpu.memory_space<hbm>>
        %dma_start3A_617 = arith.constant 0 : i32
        %dma_start3A_618 = tpu.memref_slice %arg13[%add3A_589, %dma_start3A_617] : memref<256x128xf32, #tpu.memory_space<vmem>> -> memref<1x128xf32, #tpu.memory_space<vmem>>
        %dma_start3A_619 = arith.constant 0 : i32
        %dma_start3A_620 = tpu.memref_slice %arg5[%select_n3A_601, %dma_start3A_619] : memref<500096x128xf32, #tpu.memory_space<hbm>> -> memref<1x128xf32, #tpu.memory_space<hbm>>
        tpu.enqueue_dma source(%dma_start3A_620 : memref<1x128xf32, #tpu.memory_space<hbm>>) target(%dma_start3A_618 : memref<1x128xf32, #tpu.memory_space<vmem>>) target_semaphore(%arg16 : memref<!tpu.dma_semaphore, #tpu.memory_space<semaphore_mem>>)
        %dma_start3A_621 = arith.constant 0 : i32
        %dma_start3A_622 = tpu.memref_slice %arg14[%add3A_589, %dma_start3A_621] : memref<256x128xf32, #tpu.memory_space<vmem>> -> memref<1x128xf32, #tpu.memory_space<vmem>>
        %dma_start3A_623 = arith.constant 0 : i32
        %dma_start3A_624 = tpu.memref_slice %arg6[%select_n3A_604, %dma_start3A_623] : memref<500096x128xf32, #tpu.memory_space<hbm>> -> memref<1x128xf32, #tpu.memory_space<hbm>>
        %dma_start3A_625 = arith.constant 0 : i32
        %dma_start3A_626 = tpu.memref_slice %arg14[%add3A_589, %dma_start3A_625] : memref<256x128xf32, #tpu.memory_space<vmem>> -> memref<1x128xf32, #tpu.memory_space<vmem>>
        %dma_start3A_627 = arith.constant 0 : i32
        %dma_start3A_628 = tpu.memref_slice %arg6[%select_n3A_604, %dma_start3A_627] : memref<500096x128xf32, #tpu.memory_space<hbm>> -> memref<1x128xf32, #tpu.memory_space<hbm>>
        tpu.enqueue_dma source(%dma_start3A_628 : memref<1x128xf32, #tpu.memory_space<hbm>>) target(%dma_start3A_626 : memref<1x128xf32, #tpu.memory_space<vmem>>) target_semaphore(%arg16 : memref<!tpu.dma_semaphore, #tpu.memory_space<semaphore_mem>>)
        %mul3A_629 = arith.constant 16 : i32
        %mul3A_630 = arith.muli %scan3A_22, %mul3A_629 : i32
        %add3A_631 = arith.constant 14 : i32
        %add3A_632 = arith.addi %mul3A_630, %add3A_631 : i32
        %slice3A_633 = vector.extract_strided_slice %get3A_28 {offsets = [14], sizes = [1], strides = [1]} : vector<16xi32> to vector<1xi32>
        %squeeze3A_634 = vector.extract %slice3A_633[0] : i32 from vector<1xi32>
        %slice3A_635 = vector.extract_strided_slice %get3A_30 {offsets = [14], sizes = [1], strides = [1]} : vector<16xi32> to vector<1xi32>
        %squeeze3A_636 = vector.extract %slice3A_635[0] : i32 from vector<1xi32>
        %slice3A_637 = vector.extract_strided_slice %get3A_32 {offsets = [14], sizes = [1], strides = [1]} : vector<16xi32> to vector<1xi32>
        %squeeze3A_638 = vector.extract %slice3A_637[0] : i32 from vector<1xi32>
        %ge3A_639 = arith.cmpi sge, %squeeze3A_634, %scan3A_3 : i32
        %sub3A_640 = arith.subi %squeeze3A_634, %scan3A_3 : i32
        %select_n3A_641 = arith.select %ge3A_639, %sub3A_640, %squeeze3A_634 : i32
        %ge3A_642 = arith.cmpi sge, %squeeze3A_636, %scan3A_3 : i32
        %sub3A_643 = arith.subi %squeeze3A_636, %scan3A_3 : i32
        %select_n3A_644 = arith.select %ge3A_642, %sub3A_643, %squeeze3A_636 : i32
        %ge3A_645 = arith.cmpi sge, %squeeze3A_638, %scan3A_3 : i32
        %sub3A_646 = arith.subi %squeeze3A_638, %scan3A_3 : i32
        %select_n3A_647 = arith.select %ge3A_645, %sub3A_646, %squeeze3A_638 : i32
        %dma_start3A_648 = arith.constant 0 : i32
        %dma_start3A_649 = tpu.memref_slice %arg12[%add3A_632, %dma_start3A_648] : memref<256x128xf32, #tpu.memory_space<vmem>> -> memref<1x128xf32, #tpu.memory_space<vmem>>
        %dma_start3A_650 = arith.constant 0 : i32
        %dma_start3A_651 = tpu.memref_slice %arg5[%select_n3A_641, %dma_start3A_650] : memref<500096x128xf32, #tpu.memory_space<hbm>> -> memref<1x128xf32, #tpu.memory_space<hbm>>
        %dma_start3A_652 = arith.constant 0 : i32
        %dma_start3A_653 = tpu.memref_slice %arg12[%add3A_632, %dma_start3A_652] : memref<256x128xf32, #tpu.memory_space<vmem>> -> memref<1x128xf32, #tpu.memory_space<vmem>>
        %dma_start3A_654 = arith.constant 0 : i32
        %dma_start3A_655 = tpu.memref_slice %arg5[%select_n3A_641, %dma_start3A_654] : memref<500096x128xf32, #tpu.memory_space<hbm>> -> memref<1x128xf32, #tpu.memory_space<hbm>>
        tpu.enqueue_dma source(%dma_start3A_655 : memref<1x128xf32, #tpu.memory_space<hbm>>) target(%dma_start3A_653 : memref<1x128xf32, #tpu.memory_space<vmem>>) target_semaphore(%arg16 : memref<!tpu.dma_semaphore, #tpu.memory_space<semaphore_mem>>)
        %dma_start3A_656 = arith.constant 0 : i32
        %dma_start3A_657 = tpu.memref_slice %arg13[%add3A_632, %dma_start3A_656] : memref<256x128xf32, #tpu.memory_space<vmem>> -> memref<1x128xf32, #tpu.memory_space<vmem>>
        %dma_start3A_658 = arith.constant 0 : i32
        %dma_start3A_659 = tpu.memref_slice %arg5[%select_n3A_644, %dma_start3A_658] : memref<500096x128xf32, #tpu.memory_space<hbm>> -> memref<1x128xf32, #tpu.memory_space<hbm>>
        %dma_start3A_660 = arith.constant 0 : i32
        %dma_start3A_661 = tpu.memref_slice %arg13[%add3A_632, %dma_start3A_660] : memref<256x128xf32, #tpu.memory_space<vmem>> -> memref<1x128xf32, #tpu.memory_space<vmem>>
        %dma_start3A_662 = arith.constant 0 : i32
        %dma_start3A_663 = tpu.memref_slice %arg5[%select_n3A_644, %dma_start3A_662] : memref<500096x128xf32, #tpu.memory_space<hbm>> -> memref<1x128xf32, #tpu.memory_space<hbm>>
        tpu.enqueue_dma source(%dma_start3A_663 : memref<1x128xf32, #tpu.memory_space<hbm>>) target(%dma_start3A_661 : memref<1x128xf32, #tpu.memory_space<vmem>>) target_semaphore(%arg16 : memref<!tpu.dma_semaphore, #tpu.memory_space<semaphore_mem>>)
        %dma_start3A_664 = arith.constant 0 : i32
        %dma_start3A_665 = tpu.memref_slice %arg14[%add3A_632, %dma_start3A_664] : memref<256x128xf32, #tpu.memory_space<vmem>> -> memref<1x128xf32, #tpu.memory_space<vmem>>
        %dma_start3A_666 = arith.constant 0 : i32
        %dma_start3A_667 = tpu.memref_slice %arg6[%select_n3A_647, %dma_start3A_666] : memref<500096x128xf32, #tpu.memory_space<hbm>> -> memref<1x128xf32, #tpu.memory_space<hbm>>
        %dma_start3A_668 = arith.constant 0 : i32
        %dma_start3A_669 = tpu.memref_slice %arg14[%add3A_632, %dma_start3A_668] : memref<256x128xf32, #tpu.memory_space<vmem>> -> memref<1x128xf32, #tpu.memory_space<vmem>>
        %dma_start3A_670 = arith.constant 0 : i32
        %dma_start3A_671 = tpu.memref_slice %arg6[%select_n3A_647, %dma_start3A_670] : memref<500096x128xf32, #tpu.memory_space<hbm>> -> memref<1x128xf32, #tpu.memory_space<hbm>>
        tpu.enqueue_dma source(%dma_start3A_671 : memref<1x128xf32, #tpu.memory_space<hbm>>) target(%dma_start3A_669 : memref<1x128xf32, #tpu.memory_space<vmem>>) target_semaphore(%arg16 : memref<!tpu.dma_semaphore, #tpu.memory_space<semaphore_mem>>)
        %mul3A_672 = arith.constant 16 : i32
        %mul3A_673 = arith.muli %scan3A_22, %mul3A_672 : i32
        %add3A_674 = arith.constant 15 : i32
        %add3A_675 = arith.addi %mul3A_673, %add3A_674 : i32
        %slice3A_676 = vector.extract_strided_slice %get3A_28 {offsets = [15], sizes = [1], strides = [1]} : vector<16xi32> to vector<1xi32>
        %squeeze3A_677 = vector.extract %slice3A_676[0] : i32 from vector<1xi32>
        %slice3A_678 = vector.extract_strided_slice %get3A_30 {offsets = [15], sizes = [1], strides = [1]} : vector<16xi32> to vector<1xi32>
        %squeeze3A_679 = vector.extract %slice3A_678[0] : i32 from vector<1xi32>
        %slice3A_680 = vector.extract_strided_slice %get3A_32 {offsets = [15], sizes = [1], strides = [1]} : vector<16xi32> to vector<1xi32>
        %squeeze3A_681 = vector.extract %slice3A_680[0] : i32 from vector<1xi32>
        %ge3A_682 = arith.cmpi sge, %squeeze3A_677, %scan3A_3 : i32
        %sub3A_683 = arith.subi %squeeze3A_677, %scan3A_3 : i32
        %select_n3A_684 = arith.select %ge3A_682, %sub3A_683, %squeeze3A_677 : i32
        %ge3A_685 = arith.cmpi sge, %squeeze3A_679, %scan3A_3 : i32
        %sub3A_686 = arith.subi %squeeze3A_679, %scan3A_3 : i32
        %select_n3A_687 = arith.select %ge3A_685, %sub3A_686, %squeeze3A_679 : i32
        %ge3A_688 = arith.cmpi sge, %squeeze3A_681, %scan3A_3 : i32
        %sub3A_689 = arith.subi %squeeze3A_681, %scan3A_3 : i32
        %select_n3A_690 = arith.select %ge3A_688, %sub3A_689, %squeeze3A_681 : i32
        %dma_start3A_691 = arith.constant 0 : i32
        %dma_start3A_692 = tpu.memref_slice %arg12[%add3A_675, %dma_start3A_691] : memref<256x128xf32, #tpu.memory_space<vmem>> -> memref<1x128xf32, #tpu.memory_space<vmem>>
        %dma_start3A_693 = arith.constant 0 : i32
        %dma_start3A_694 = tpu.memref_slice %arg5[%select_n3A_684, %dma_start3A_693] : memref<500096x128xf32, #tpu.memory_space<hbm>> -> memref<1x128xf32, #tpu.memory_space<hbm>>
        %dma_start3A_695 = arith.constant 0 : i32
        %dma_start3A_696 = tpu.memref_slice %arg12[%add3A_675, %dma_start3A_695] : memref<256x128xf32, #tpu.memory_space<vmem>> -> memref<1x128xf32, #tpu.memory_space<vmem>>
        %dma_start3A_697 = arith.constant 0 : i32
        %dma_start3A_698 = tpu.memref_slice %arg5[%select_n3A_684, %dma_start3A_697] : memref<500096x128xf32, #tpu.memory_space<hbm>> -> memref<1x128xf32, #tpu.memory_space<hbm>>
        tpu.enqueue_dma source(%dma_start3A_698 : memref<1x128xf32, #tpu.memory_space<hbm>>) target(%dma_start3A_696 : memref<1x128xf32, #tpu.memory_space<vmem>>) target_semaphore(%arg16 : memref<!tpu.dma_semaphore, #tpu.memory_space<semaphore_mem>>)
        %dma_start3A_699 = arith.constant 0 : i32
        %dma_start3A_700 = tpu.memref_slice %arg13[%add3A_675, %dma_start3A_699] : memref<256x128xf32, #tpu.memory_space<vmem>> -> memref<1x128xf32, #tpu.memory_space<vmem>>
        %dma_start3A_701 = arith.constant 0 : i32
        %dma_start3A_702 = tpu.memref_slice %arg5[%select_n3A_687, %dma_start3A_701] : memref<500096x128xf32, #tpu.memory_space<hbm>> -> memref<1x128xf32, #tpu.memory_space<hbm>>
        %dma_start3A_703 = arith.constant 0 : i32
        %dma_start3A_704 = tpu.memref_slice %arg13[%add3A_675, %dma_start3A_703] : memref<256x128xf32, #tpu.memory_space<vmem>> -> memref<1x128xf32, #tpu.memory_space<vmem>>
        %dma_start3A_705 = arith.constant 0 : i32
        %dma_start3A_706 = tpu.memref_slice %arg5[%select_n3A_687, %dma_start3A_705] : memref<500096x128xf32, #tpu.memory_space<hbm>> -> memref<1x128xf32, #tpu.memory_space<hbm>>
        tpu.enqueue_dma source(%dma_start3A_706 : memref<1x128xf32, #tpu.memory_space<hbm>>) target(%dma_start3A_704 : memref<1x128xf32, #tpu.memory_space<vmem>>) target_semaphore(%arg16 : memref<!tpu.dma_semaphore, #tpu.memory_space<semaphore_mem>>)
        %dma_start3A_707 = arith.constant 0 : i32
        %dma_start3A_708 = tpu.memref_slice %arg14[%add3A_675, %dma_start3A_707] : memref<256x128xf32, #tpu.memory_space<vmem>> -> memref<1x128xf32, #tpu.memory_space<vmem>>
        %dma_start3A_709 = arith.constant 0 : i32
        %dma_start3A_710 = tpu.memref_slice %arg6[%select_n3A_690, %dma_start3A_709] : memref<500096x128xf32, #tpu.memory_space<hbm>> -> memref<1x128xf32, #tpu.memory_space<hbm>>
        %dma_start3A_711 = arith.constant 0 : i32
        %dma_start3A_712 = tpu.memref_slice %arg14[%add3A_675, %dma_start3A_711] : memref<256x128xf32, #tpu.memory_space<vmem>> -> memref<1x128xf32, #tpu.memory_space<vmem>>
        %dma_start3A_713 = arith.constant 0 : i32
        %dma_start3A_714 = tpu.memref_slice %arg6[%select_n3A_690, %dma_start3A_713] : memref<500096x128xf32, #tpu.memory_space<hbm>> -> memref<1x128xf32, #tpu.memory_space<hbm>>
        tpu.enqueue_dma source(%dma_start3A_714 : memref<1x128xf32, #tpu.memory_space<hbm>>) target(%dma_start3A_712 : memref<1x128xf32, #tpu.memory_space<vmem>>) target_semaphore(%arg16 : memref<!tpu.dma_semaphore, #tpu.memory_space<semaphore_mem>>)
      }
      %scan3A_15 = arith.constant 16 : i32
      tpu.wait_dma2 semaphore(%arg16 : memref<!tpu.dma_semaphore, #tpu.memory_space<semaphore_mem>>) src(%arg7 : memref<256x128xf32, #tpu.memory_space<hbm>>) dst(%arg12 : memref<256x128xf32, #tpu.memory_space<vmem>>)
      tpu.wait_dma2 semaphore(%arg16 : memref<!tpu.dma_semaphore, #tpu.memory_space<semaphore_mem>>) src(%arg7 : memref<256x128xf32, #tpu.memory_space<hbm>>) dst(%arg13 : memref<256x128xf32, #tpu.memory_space<vmem>>)
      tpu.wait_dma2 semaphore(%arg16 : memref<!tpu.dma_semaphore, #tpu.memory_space<semaphore_mem>>) src(%arg7 : memref<256x128xf32, #tpu.memory_space<hbm>>) dst(%arg14 : memref<256x128xf32, #tpu.memory_space<vmem>>)
      %scan3A_16 = arith.constant 0 : i32
      %scan3A_17 = arith.constant 0 : i32
      %scan3A_18 = arith.constant 16 : i32
      %scan3A_19 = arith.addi %scan3A_17, %scan3A_18 : i32
      %scan3A_20 = arith.constant 1 : i32
      scf.for %scan3A_22 = %scan3A_17 to %scan3A_19 step %scan3A_20  : i32 {
        %mul3A_23 = arith.constant 16 : i32
        %mul3A_24 = arith.muli %scan3A_22, %mul3A_23 : i32
        %add3A_25 = vector.broadcast %mul3A_24 : i32 to vector<16xi32>
        %add3A_26 = arith.addi %add3A_25, %iota3A : vector<16xi32>
        %mul3A_27 = arith.constant 256 : i32
        %mul3A_28 = arith.muli %scan3A_9, %mul3A_27 : i32
        %mul3A_29 = arith.constant 16 : i32
        %mul3A_30 = arith.muli %scan3A_22, %mul3A_29 : i32
        %add3A_31 = arith.addi %mul3A_28, %mul3A_30 : i32
        %get3A = arith.index_cast %add3A_31 : i32 to index
        %get3A_32 = tpu.vector_load %arg9[%get3A] {strides = array<i32>} : memref<512xi32, #tpu.memory_space<vmem>>, vector<16xi32>,
        %get3A_33 = arith.index_cast %add3A_31 : i32 to index
        %get3A_34 = tpu.vector_load %arg10[%get3A_33] {strides = array<i32>} : memref<512xi32, #tpu.memory_space<vmem>>, vector<16xi32>,
        %get3A_35 = arith.index_cast %add3A_31 : i32 to index
        %get3A_36 = tpu.vector_load %arg11[%get3A_35] {strides = array<i32>} : memref<512xi32, #tpu.memory_space<vmem>>, vector<16xi32>,
        %broadcast_in_dim3A = arith.constant 0 : i32
        %broadcast_in_dim3A_37 = vector.broadcast %broadcast_in_dim3A : i32 to vector<16xi32>
        %ge3A = vector.broadcast %scan3A_3 : i32 to vector<16xi32>
        %ge3A_38 = arith.cmpi sge, %get3A_32, %ge3A : vector<16xi32>
        %jit3A = arith.constant 64 : i32
        %broadcast_in_dim3A_39 = vector.broadcast %jit3A : i32 to vector<16xi32>
        %select_n3A = arith.select %ge3A_38, %broadcast_in_dim3A_39, %broadcast_in_dim3A_37 : vector<16xi1>, vector<16xi32>
        %ge3A_40 = vector.broadcast %scan3A_3 : i32 to vector<16xi32>
        %ge3A_41 = arith.cmpi sge, %get3A_34, %ge3A_40 : vector<16xi32>
        %jit3A_42 = arith.constant 64 : i32
        %broadcast_in_dim3A_43 = vector.broadcast %jit3A_42 : i32 to vector<16xi32>
        %select_n3A_44 = arith.select %ge3A_41, %broadcast_in_dim3A_43, %broadcast_in_dim3A_37 : vector<16xi1>, vector<16xi32>
        %ge3A_45 = vector.broadcast %scan3A_3 : i32 to vector<16xi32>
        %ge3A_46 = arith.cmpi sge, %get3A_36, %ge3A_45 : vector<16xi32>
        %jit3A_47 = arith.constant 64 : i32
        %broadcast_in_dim3A_48 = vector.broadcast %jit3A_47 : i32 to vector<16xi32>
        %select_n3A_49 = arith.select %ge3A_46, %broadcast_in_dim3A_48, %broadcast_in_dim3A_37 : vector<16xi1>, vector<16xi32>
        %broadcast_in_dim3A_50 = arith.constant 0.000000e+00 : f32
        %broadcast_in_dim3A_51 = vector.broadcast %broadcast_in_dim3A_50 : f32 to vector<16xf32>
        %scan3A_52 = arith.constant 0 : i32
        %scan3A_53 = arith.constant 64 : i32
        %scan3A_54 = arith.addi %scan3A_52, %scan3A_53 : i32
        %scan3A_55 = arith.constant 1 : i32
        %scan3A_56 = scf.for %scan3A_96 = %scan3A_52 to %scan3A_54 step %scan3A_55 iter_args(%scan3A_97 = %broadcast_in_dim3A_51) -> (vector<16xf32>)  : i32 {
          %add3A_98 = vector.broadcast %scan3A_96 : i32 to vector<16xi32>
          %add3A_99 = arith.addi %select_n3A, %add3A_98 : vector<16xi32>
          %gather3A = tpu.vector_load_idx %arg12[%add3A_26, %add3A_99] : memref<256x128xf32, #tpu.memory_space<vmem>>[vector<16xi32>, vector<16xi32>], vector<16xf32>,
          %add3A_100 = vector.broadcast %scan3A_96 : i32 to vector<16xi32>
          %add3A_101 = arith.addi %select_n3A_44, %add3A_100 : vector<16xi32>
          %gather3A_102 = tpu.vector_load_idx %arg13[%add3A_26, %add3A_101] : memref<256x128xf32, #tpu.memory_space<vmem>>[vector<16xi32>, vector<16xi32>], vector<16xf32>,
          %add3A_103 = vector.broadcast %scan3A_96 : i32 to vector<16xi32>
          %add3A_104 = arith.addi %select_n3A_49, %add3A_103 : vector<16xi32>
          %gather3A_105 = tpu.vector_load_idx %arg14[%add3A_26, %add3A_104] : memref<256x128xf32, #tpu.memory_space<vmem>>[vector<16xi32>, vector<16xi32>], vector<16xf32>,
          %add3A_106 = arith.addf %gather3A, %gather3A_105 : vector<16xf32>
          %sub3A_107 = arith.subf %add3A_106, %gather3A_102 : vector<16xf32>
          %mul3A_108 = arith.mulf %sub3A_107, %sub3A_107 : vector<16xf32>
          %add3A_109 = arith.addf %scan3A_97, %mul3A_108 : vector<16xf32>
          scf.yield %add3A_109 : vector<16xf32>
        }
        %scan3A_57 = arith.constant 64 : i32
        %add3A_58 = arith.constant 9.99999996E-13 : f32
        %add3A_59 = vector.broadcast %add3A_58 : f32 to vector<16xf32>
        %add3A_60 = arith.addf %scan3A_56, %add3A_59 : vector<16xf32>
        %bitcast3A = vector.bitcast %add3A_60 : vector<16xf32> to vector<16xi32>
        %shift_right_arithmetic3A = arith.constant 1 : i32
        %shift_right_arithmetic3A_61 = vector.broadcast %shift_right_arithmetic3A : i32 to vector<16xi32>
        %shift_right_arithmetic3A_62 = arith.shrsi %bitcast3A, %shift_right_arithmetic3A_61 : vector<16xi32>
        %sub3A = arith.constant 1597463007 : i32
        %sub3A_63 = vector.broadcast %sub3A : i32 to vector<16xi32>
        %sub3A_64 = arith.subi %sub3A_63, %shift_right_arithmetic3A_62 : vector<16xi32>
        %bitcast3A_65 = vector.bitcast %sub3A_64 : vector<16xi32> to vector<16xf32>
        %mul3A_66 = arith.constant 5.000000e-01 : f32
        %mul3A_67 = vector.broadcast %mul3A_66 : f32 to vector<16xf32>
        %mul3A_68 = arith.mulf %mul3A_67, %add3A_60 : vector<16xf32>
        %mul3A_69 = arith.mulf %mul3A_68, %bitcast3A_65 : vector<16xf32>
        %mul3A_70 = arith.mulf %mul3A_69, %bitcast3A_65 : vector<16xf32>
        %sub3A_71 = arith.constant 1.500000e+00 : f32
        %sub3A_72 = vector.broadcast %sub3A_71 : f32 to vector<16xf32>
        %sub3A_73 = arith.subf %sub3A_72, %mul3A_70 : vector<16xf32>
        %mul3A_74 = arith.mulf %bitcast3A_65, %sub3A_73 : vector<16xf32>
        %mul3A_75 = arith.mulf %mul3A_68, %mul3A_74 : vector<16xf32>
        %mul3A_76 = arith.mulf %mul3A_75, %mul3A_74 : vector<16xf32>
        %sub3A_77 = arith.constant 1.500000e+00 : f32
        %sub3A_78 = vector.broadcast %sub3A_77 : f32 to vector<16xf32>
        %sub3A_79 = arith.subf %sub3A_78, %mul3A_76 : vector<16xf32>
        %mul3A_80 = arith.mulf %mul3A_74, %sub3A_79 : vector<16xf32>
        %mul3A_81 = arith.mulf %mul3A_68, %mul3A_80 : vector<16xf32>
        %mul3A_82 = arith.mulf %mul3A_81, %mul3A_80 : vector<16xf32>
        %sub3A_83 = arith.constant 1.500000e+00 : f32
        %sub3A_84 = vector.broadcast %sub3A_83 : f32 to vector<16xf32>
        %sub3A_85 = arith.subf %sub3A_84, %mul3A_82 : vector<16xf32>
        %mul3A_86 = arith.mulf %mul3A_80, %sub3A_85 : vector<16xf32>
        %mul3A_87 = arith.mulf %add3A_60, %mul3A_86 : vector<16xf32>
        %neg3A = arith.constant 0.000000e+00 : f32
        %neg3A_88 = vector.broadcast %neg3A : f32 to vector<16xf32>
        %neg3A_89 = arith.subf %neg3A_88, %mul3A_87 : vector<16xf32>
        %mul3A_90 = arith.constant 256 : i32
        %mul3A_91 = arith.muli %scan3A_9, %mul3A_90 : i32
        %mul3A_92 = arith.constant 16 : i32
        %mul3A_93 = arith.muli %scan3A_22, %mul3A_92 : i32
        %add3A_94 = arith.addi %mul3A_91, %mul3A_93 : i32
        %swap3A = arith.index_cast %add3A_94 : i32 to index
        %swap3A_95 = tpu.vector_load %arg15[%swap3A] {strides = array<i32>} : memref<512xf32, #tpu.memory_space<vmem>>, vector<16xf32>,
        tpu.vector_store %arg15[%swap3A], %neg3A_89 {strides = array<i32>} : memref<512xf32, #tpu.memory_space<vmem>>, vector<16xf32>,
      }
      %scan3A_21 = arith.constant 16 : i32
    }
    %scan3A_8 = arith.constant 2 : i32
    "tpu.region"() ({
      %run_scoped3A = tpu.sem_alloc : memref<!tpu.dma_semaphore, #tpu.memory_space<semaphore_mem>>
      %dma_start3A = tpu.memref_slice %arg8[%mul3A_2] : memref<16384xf32, #tpu.memory_space<hbm>> -> memref<512xf32, #tpu.memory_space<hbm>>
      %dma_start3A_9 = tpu.memref_slice %arg8[%mul3A_2] : memref<16384xf32, #tpu.memory_space<hbm>> -> memref<512xf32, #tpu.memory_space<hbm>>
      tpu.enqueue_dma source(%arg15 : memref<512xf32, #tpu.memory_space<vmem>>) target(%dma_start3A_9 : memref<512xf32, #tpu.memory_space<hbm>>) target_semaphore(%run_scoped3A : memref<!tpu.dma_semaphore, #tpu.memory_space<semaphore_mem>>)
      %dma_wait3A = tpu.memref_slice %arg8[%mul3A_2] : memref<16384xf32, #tpu.memory_space<hbm>> -> memref<512xf32, #tpu.memory_space<hbm>>
      %dma_wait3A_10 = tpu.memref_slice %arg8[%mul3A_2] : memref<16384xf32, #tpu.memory_space<hbm>> -> memref<512xf32, #tpu.memory_space<hbm>>
      tpu.wait_dma2 semaphore(%run_scoped3A : memref<!tpu.dma_semaphore, #tpu.memory_space<semaphore_mem>>) src(%arg15 : memref<512xf32, #tpu.memory_space<vmem>>) dst(%dma_wait3A_10 : memref<512xf32, #tpu.memory_space<hbm>>)
      tpu.yield
    }) : () -> ()
    return
  }
}

module attributes {stable_mosaic.version = 14 : i64} {
  func.func @_tp_body(%arg0: i32, %arg1: memref<64x128xf32, #tpu.memory_space<vmem>>, %arg2: memref<64x128xf32, #tpu.memory_space<vmem>>, %arg3: memref<128x128xf32, #tpu.memory_space<vmem>>) attributes {dimension_semantics = [#tpu.dimension_semantics<arbitrary>], iteration_bounds = array<i64: 3907>, scalar_prefetch = 0 : i64, scratch_operands = 0 : i64, tpu.core_type = #tpu.core_type<tc>, window_params = [{transform_indices = @transform_0, window_bounds = array<i64: 64, 128>}, {transform_indices = @transform_1, window_bounds = array<i64: 64, 128>}, {transform_indices = @transform_2, window_bounds = array<i64: 128, 128>}]} {
    %iota3A = tpu.iota {dimensions = array<i32: 0>} : vector<64x64xi32>
    %iota3A_0 = tpu.iota {dimensions = array<i32: 1>} : vector<64x64xi32>
    %add3A = arith.constant 0 : i32
    %add3A_1 = vector.broadcast %add3A : i32 to vector<64x64xi32>
    %add3A_2 = arith.addi %iota3A, %add3A_1 : vector<64x64xi32>
    %eq3A = arith.cmpi eq, %add3A_2, %iota3A_0 : vector<64x64xi32>
    %convert_element_type3A = arith.extui %eq3A : vector<64x64xi1> to vector<64x64xi32>
    %convert_element_type3A_3 = arith.sitofp %convert_element_type3A : vector<64x64xi32> to vector<64x64xf32>
    %get3A = arith.constant 0 : index
    %get3A_4 = arith.constant 0 : index
    %get3A_5 = vector.load %arg1[%get3A, %get3A_4] : memref<64x128xf32, #tpu.memory_space<vmem>>, vector<64x128xf32>
    %dot_general3A = arith.constant dense<0.000000e+00> : vector<128x64xf32>
    %dot_general3A_6 = tpu.matmul %get3A_5, %convert_element_type3A_3, %dot_general3A {dimension_numbers = #tpu.dot_dimension_numbers<[0], [0], [1], [1], [0, 1, 1, 1], [], []>, transpose_lhs_hint = false} : vector<64x128xf32>, vector<64x64xf32>, vector<128x64xf32> -> vector<128x64xf32>
    %get3A_7 = arith.constant 0 : index
    %get3A_8 = arith.constant 0 : index
    %get3A_9 = vector.load %arg2[%get3A_7, %get3A_8] : memref<64x128xf32, #tpu.memory_space<vmem>>, vector<64x128xf32>
    %dot_general3A_10 = arith.constant dense<0.000000e+00> : vector<128x64xf32>
    %dot_general3A_11 = tpu.matmul %get3A_9, %convert_element_type3A_3, %dot_general3A_10 {dimension_numbers = #tpu.dot_dimension_numbers<[0], [0], [1], [1], [0, 1, 1, 1], [], []>, transpose_lhs_hint = false} : vector<64x128xf32>, vector<64x64xf32>, vector<128x64xf32> -> vector<128x64xf32>
    %swap3A = arith.constant 0 : index
    %swap3A_12 = arith.constant 0 : index
    %swap3A_13 = vector.load %arg3[%swap3A, %swap3A_12] : memref<128x128xf32, #tpu.memory_space<vmem>>, vector<128x64xf32>
    tpu.vector_store %arg3[%swap3A, %swap3A_12], %dot_general3A_6 {strides = array<i32>} : memref<128x128xf32, #tpu.memory_space<vmem>>, vector<128x64xf32>,
    %swap3A_14 = arith.constant 0 : index
    %swap3A_15 = arith.constant 64 : index
    %swap3A_16 = vector.load %arg3[%swap3A_14, %swap3A_15] : memref<128x128xf32, #tpu.memory_space<vmem>>, vector<128x64xf32>
    tpu.vector_store %arg3[%swap3A_14, %swap3A_15], %dot_general3A_11 {strides = array<i32>} : memref<128x128xf32, #tpu.memory_space<vmem>>, vector<128x64xf32>,
    return
  }
  func.func @transform_0(%arg0: i32) -> (i32, i32) {
    %c0_i32 = arith.constant 0 : i32
    %c0_i32_0 = arith.constant 0 : i32
    return %c0_i32, %arg0 : i32, i32
  }
  func.func @transform_1(%arg0: i32) -> (i32, i32) {
    %add3A = arith.constant 3907 : i32
    %add3A_0 = arith.addi %add3A, %arg0 : i32
    %min3A = arith.constant 7812 : i32
    %min3A_1 = arith.minsi %add3A_0, %min3A : i32
    %c0_i32 = arith.constant 0 : i32
    %c0_i32_2 = arith.constant 0 : i32
    return %c0_i32, %min3A_1 : i32, i32
  }
  func.func @transform_2(%arg0: i32) -> (i32, i32) {
    %c0_i32 = arith.constant 0 : i32
    %c0_i32_0 = arith.constant 0 : i32
    return %arg0, %c0_i32 : i32, i32
  }
}

</mosaic_0001>

<sc_bundles>
// kernel: _score.5.cloned.1.call-start
scs
__scs_entry_jumppad:
0x0: {  	(pc) =	sbr.rel $0x88, $3  }
0x1: {  	(tag) =	ssettag $0x0;
	lr =	simm.s32 $0x1  }
0x2: {  	[smem:$0x3F9E] =	sst lr;
	_ =	strace $0xD0000000  }
0x3: {  	_ = 	snop  }
0x4: {  	_ = 	snop  }
0x5: {  	_ = 	snop  }
0x6: {  	_ = 	snop  }
0x7: {  	_ = 	snop  }
__scs_overlays_trampoline_lowered:
0x8: {  	[smem:$0x3FAD] =	sst s0  }
0x9: {  	[smem:$0x3FAE] =	sst s1  }
0xa: {  	[smem:$0x3FAF] =	sst s2  }
0xb: {  	[smem:$0x3FB0] =	sst s3  }
0xc: {  	[smem:$0x3FB1] =	sst s4  }
0xd: {  	[smem:$0x3FB2] =	sst s5  }
0xe: {  	[smem:$0x3FB3] =	sst s6  }
0xf: {  	[smem:$0x3FB4] =	sst s7  }
0x10: {  	[smem:$0x3FB5] =	sst s8  }
0x11: {  	[smem:$0x3FB6] =	sst s9;
	s0 =	simm.s32 @!p0 $0x0  }
0x12: {  	s1 =	sld [smem:$0x3F9C];
	s0 =	simm.s32 @p0 $0x1  }
0x13: {  	[smem:$0x3FB7] =	sst s0;
	s0 =	simm.s32 @!p1 $0x0  }
0x14: {  	s2 =	sld [smem:$0x3F9B];
	s0 =	simm.s32 @p1 $0x1  }
0x15: {  	[smem:$0x3FB8] =	sst s0;
	s0 =	simm.s32 @!p2 $0x0  }
0x16: {  	s3 =	sld [smem:$0x3FDB];
	s0 =	simm.s32 @p2 $0x1  }
0x17: {  	s4 =	simm.s32 $0x1BF5;
	[smem:$0x3FBA] =	sst s0  }
0x18: {  	s0 =	sld [smem:$0x3F9D];
	_ =	swait.ge [sflag:s4], $0x0  }
0x19: {  	s7 =	sld [smem:$0x3F9E]  }
0x1a: {  	s8 =	sadd.s32 $0xFFFFE003, lr  }
0x1b: {  	s9 =	sadd.s32 $0xFFFFFEF7, lr;
	s5 =	simm.s32 $0xFFFFFFFF;
	p2 =	slt.u32 s8, $0xFFFFF086  }
0x1c: {  	p1 =	slt.u32 s9, $0xF7A;
	s5 =	simm.s32 @!p2 $0x0  }
0x1d: {  	s5 =	simm.s32 @p1 $0x1;
	p0 =	seq.s32 s7, s2  }
0x1e: {  	s7 =	smul.u32 @!p0 $0xF7A, s2;
	p2 =	seq.s32 @!p0 s5, $0x0  }
0x1f: {  	s9 =	smul.u32 $0xF7A, s1;
	s8 =	simm.s32 @!p0 $0x1BF5;
	p2 =	por !p2, p0  }
0x20: {  	[sflag:s8] =	ssyncset.s32 @!p0 $0xFFFFF086;
	s6 =	sadd.s32 @!p0 s3, s7;
	s7 =	simm.s32 @!p0 $0x108  }
0x21: {  	s3 =	sadd.s32 s3, s9;
	s6 =	sadd.s32 @!p0 $0x88, s6;
	s7 =	simm.s32 @p2 $0x1082  }
0x22: {  	[simem:s7], [sflag:s8] =	dma.local @!p0 [hbm:s6], $0xF7A  }
0x23: {  	s9 =	sor.u32 $0xD0000000, s2;
	s6 =	simm.s32 $0x108;
	_ =	swait.ge @!p0 [sflag:s8], $0x0  }
0x24: {  	s3 =	sadd.s32 $0x88, s3;
	s6 =	simm.s32 @!p1 $0x1082;
	[sflag:s4] =	ssyncset.s32 $0xFFFFF086  }
0x25: {  	[simem:s6], [sflag:s4] =	dma.local [hbm:s3], $0xF7A  }
0x26: {  	[smem:$0x3F9E] =	sst s1;
	(tag) =	ssettag s2;
	_ =	strace s9  }
0x27: {  	s1 =	sld [smem:$0x3FAE]  }
0x28: {  	s2 =	sld [smem:$0x3FAF]  }
0x29: {  	s4 =	sld [smem:$0x3FB1]  }
0x2a: {  	p0 =	seq.s32 s5, $0x0;
	s5 =	sld [smem:$0x3FB2]  }
0x2b: {  	s6 =	sld [smem:$0x3FB3]  }
0x2c: {  	s7 =	sld [smem:$0x3FB4]  }
0x2d: {  	s3 =	simm.s32 $0x108;
	s8 =	sld [smem:$0x3FB5]  }
0x2e: {  	s3 =	simm.s32 @!p0 $0x1082;
	s9 =	sld [smem:$0x3FB6]  }
0x2f: {  	lr =	sadd.s32 s0, s3;
	s0 =	sld [smem:$0x3FAD]  }
0x30: {  	s3 =	sld [smem:$0x3FB0]  }
0x31: {  	[smem:$0x3FB9] =	sst s10  }
0x32: {  	s10 =	sld [smem:$0x3FB7];
	_ =	sdelay $0x3  }
0x33: {  	p0 =	seq.s32 s10, $0x1;
	s10 =	sld [smem:$0x3FB9];
	_ =	sdelay $0x3  }
0x34: {  	[smem:$0x3FB9] =	sst s10  }
0x35: {  	s10 =	sld [smem:$0x3FB8];
	_ =	sdelay $0x3  }
0x36: {  	p1 =	seq.s32 s10, $0x1;
	s10 =	sld [smem:$0x3FB9];
	_ =	sdelay $0x3  }
0x37: {  	[smem:$0x3FB9] =	sst s10  }
0x38: {  	s10 =	sld [smem:$0x3FBA]  }
0x39: {  	_ = 	snop;
	(pc) =	sbr.ind lr, $3  }
0x3a: {  	_ = 	snop  }
0x3b: {  	_ = 	snop  }
0x3c: {  	p2 =	seq.s32 s10, $0x1;
	s10 =	sld [smem:$0x3FB9]  }
0x3d: {  	_ =	shalt  }
0x3e: {  	_ =	shalt  }
0x3f: {  	_ =	shalt  }
0x40: {  	_ =	shalt  }
0x41: {  	_ =	shalt  }
0x42: {  	_ =	shalt  }
0x43: {  	_ =	shalt  }
0x44: {  	_ =	shalt  }
0x45: {  	_ =	shalt  }
0x46: {  	_ =	shalt  }
0x47: {  	_ =	shalt  }
0x48: {  	_ =	shalt  }
0x49: {  	_ =	shalt  }
0x4a: {  	_ =	shalt  }
0x4b: {  	_ =	shalt  }
0x4c: {  	_ =	shalt  }
0x4d: {  	_ =	shalt  }
0x4e: {  	_ =	shalt  }
0x4f: {  	_ =	shalt  }
0x50: {  	_ =	shalt  }
0x51: {  	_ =	shalt  }
0x52: {  	_ =	shalt  }
0x53: {  	_ =	shalt  }
0x54: {  	_ =	shalt  }
0x55: {  	_ =	shalt  }
0x56: {  	_ =	shalt  }
0x57: {  	_ =	shalt  }
0x58: {  	_ =	shalt  }
0x59: {  	_ =	shalt  }
0x5a: {  	_ =	shalt  }
0x5b: {  	_ =	shalt  }
0x5c: {  	_ =	shalt  }
0x5d: {  	_ =	shalt  }
0x5e: {  	_ =	shalt  }
0x5f: {  	_ =	shalt  }
0x60: {  	_ =	shalt  }
0x61: {  	_ =	shalt  }
0x62: {  	_ =	shalt  }
0x63: {  	_ =	shalt  }
0x64: {  	_ =	shalt  }
0x65: {  	_ =	shalt  }
0x66: {  	_ =	shalt  }
0x67: {  	_ =	shalt  }
0x68: {  	_ =	shalt  }
0x69: {  	_ =	shalt  }
0x6a: {  	_ =	shalt  }
0x6b: {  	_ =	shalt  }
0x6c: {  	_ =	shalt  }
0x6d: {  	_ =	shalt  }
0x6e: {  	_ =	shalt  }
0x6f: {  	_ =	shalt  }
0x70: {  	_ =	shalt  }
0x71: {  	_ =	shalt  }
0x72: {  	_ =	shalt  }
0x73: {  	_ =	shalt  }
0x74: {  	_ =	shalt  }
0x75: {  	_ =	shalt  }
0x76: {  	_ =	shalt  }
0x77: {  	_ =	shalt  }
0x78: {  	_ =	shalt  }
0x79: {  	_ =	shalt  }
0x7a: {  	_ =	shalt  }
0x7b: {  	_ =	shalt  }
0x7c: {  	_ =	shalt  }
0x7d: {  	_ =	shalt  }
0x7e: {  	_ =	shalt  }
0x7f: {  	_ =	shalt  }
0x80: {  	_ =	shalt  }
0x81: {  	_ =	shalt  }
0x82: {  	_ =	shalt  }
0x83: {  	_ =	shalt  }
0x84: {  	_ =	shalt  }
0x85: {  	_ =	shalt  }
0x86: {  	_ =	shalt  }
0x87: {  	_ =	shalt  }
.Lfunc_end0:
.L_simem_size_0:
called_computation_lowered:
.L_overlay_start_0:
0x88: {  	s2 =	sld [smem:$0x3FD9]  }
0x89: {  	s3 =	sld [smem:$0x3FFE];
	_ =	sdelay $0x1  }
0x8a: {  	s1 =	srdreg.scid  }
0x8b: {  	s0 =	sand.u32 $0x1, s1  }
0x8c: {  	s17 =	sshll.u32 s0, $0xA;
	s2 =	sadd.s32 s3, s2  }
0x8d: {  	s2 =	sadd.s32 s2, s17  }
0x8e: {  	[smem:$0x3FC5] =	sst s2  }
0x8f: {  	_ = 	snop  }
0x90: {  	s2 =	sld [smem:$0x3FD0];
	(tm) =	ssettm $0x1  }
0x91: {  	s18 =	sld [smem:$0x3FFB];
	_ =	sdelay $0x3  }
0x92: {  	_ =	strace s18  }
0x93: {  	s3 =	sld [smem:$0x3FFC];
	_ =	sdelay $0x3  }
0x94: {  	_ =	strace s3  }
0x95: {  	s3 =	sld [smem:$0x3FFD];
	_ =	sdelay $0x3  }
0x96: {  	_ =	strace s3  }
0x97: {  	_ =	strace $0x8FFFFFFF  }
0x98: {  	s19 =	sld [smem:$0x3FDB];
	_ =	sdelay $0x1  }
0x99: {  	s4 =	simm.s32 $_scs_section_size  }
0x9a: {  	s5 =	simm.s32 $_size__tile_overlayer_lowered;
	s6 =	simm.s32 $_tile_overlayer_lowered  }
0x9b: {  	s22 =	simm.s32 $0x1BFF;
	s21 =	sshll.u32 s6, $0x1;
	s3 =	sadd.s32 s4, s19  }
0x9c: {  	s7 =	simm.s32 $0x0;
	s20 =	sshll.u32 s5, $0x1;
	s5 =	sadd.s32 s21, s3  }
0x9d: {  	[timem:s7], [sflag:s22] =	dma.local [hbm:s5], s20  }
0x9e: {  	_ =	swait.ge [sflag:s22], s20  }
0x9f: {  	s4 =	ssub.s32 $0x0, s20;
	[sflag:s22] =	ssyncset.done $0x0  }
0xa0: {  	[sflag:s22] =	ssyncadd.s32 s4;
	_ =	sdelay $0x1  }
0xa1: {  	s23 =	simm.s32 $0x1B8B  }
0xa2: {  	_ =	swait.ge [sflag:s23], $0x1  }
0xa3: {  	[sflag:s23] =	ssyncset.done $0x0  }
0xa4: {  	s25 =	simm.s32 $0x1B8E;
	s24 =	sld [smem:$0x3FFE];
	[sflag:s23] =	ssyncadd.s32 $0xFFFFFFFF  }
0xa5: {  	s26 =	simm.s32 $execute0_lowered;
	[smem:$0x3FD2] =	sst s25  }
0xa6: {  	s5 =	sshll.u32 s26, $0x1;
	_ =	strace $0x80000046;
	[dreg:$0x1] =	wrdreg $0xFFFFFFFF  }
0xa7: {  	s28 =	simm.s32 $_size_execute0_lowered;
	s3 =	sadd.s32 s3, s5;
	[dreg:$0x0] =	wrdreg $0x0  }
0xa8: {  	s5 =	sshll.u32 s28, $0x1;
	[dreg:$0x2] =	wrdreg s3  }
0xa9: {  	[dreg:$0x3] =	wrdreg s5  }
0xaa: {  	[dreg:$0x4] =	wrdreg $0xC0  }
0xab: {  	_ =	task [dreg:s7], $0x5FFFF  }
0xac: {  	[dreg:$0x1] =	wrdreg $0xFFFFFFFF  }
0xad: {  	[dreg:$0x0] =	wrdreg $0x60  }
0xae: {  	[dreg:$0x2] =	wrdreg s24  }
0xaf: {  	[dreg:$0x3] =	wrdreg s2  }
0xb0: {  	[dreg:$0x4] =	wrdreg $0x9  }
0xb1: {  	_ =	task.clear_ibuf [dreg:s7], $0x5FFFF;
	_ =	strace $0x90000046  }
0xb2: {  	s29 =	simm.s32 $0x9;
	_ =	strace $0x80000048  }
0xb3: {  	_ =	swait.ge [sflag:s29], $0x1  }
0xb4: {  	[sflag:s29] =	ssyncadd.s32 $0xFFFFFFFF  }
0xb5: {  	_ =	strace $0x90000048  }
0xb6: {  	_ =	sfence  }
0xb7: {  	s30 =	sld [smem:$0x0];
	_ =	sdelay $0x2  }
0xb8: {  	s31 =	sshll.u32 s1, $0xD;
	s1 =	sshrl.u32 s1, $0x2  }
0xb9: {  	s3 =	sand.u32 $0x4000, s31;
	s1 =	sadd.s32 s1, s30  }
0xba: {  	s0 =	sor.u32 s3, s0;
	s1 =	sshll.u32 s1, $0x11  }
0xbb: {  	s0 =	sor.u32 s1, s0  }
0xbc: {  	s0 =	sadd.s32 $0x8F2B, s0  }
0xbd: {  	[sflag:s0] =	ssyncadd.remote.s32 $0x1  }
0xbe: {  	_ =	sfence.sel $0xFFFF  }
0xbf: {  	[dreg:$0x0] =	wrdreg $0xFFFFFFFF;
	(pc) =	sbr.abs _section_cstart, $3  }
0xc0: {  	[dreg:$0x1] =	wrdreg $0xFFFFFFFF  }
0xc1: {  	_ =	task.clear_ibuf [dreg:s7], $0x2FFFF;
	_ =	strace $0x9FFFFFFF  }
0xc2: {  	(tm) =	ssettm $0x7FFFFFFF  }
0xc3: {  	_ =	shalt  }
tec
execute0_lowered:
.L_overlay_start_1:
0x0: {  	(tag) =	ssettag $0x1  }
0x1: {  	s4 =	rddreg [dreg:$0x0]  }
0x2: {  	s8 =	rddreg [dreg:$0x1];
	s2 =	srdreg.scid  }
0x3: {  	s0 =	rddreg [dreg:$0x2];
	s1 =	stileid.u32  }
0x4: {  	s11 =	simm.s32 $0x200;
	s12 =	simm.s32 $0x400;
	s13 =	simm.s32 $0x1  }
0x5: {  	s14 =	simm.s32 $0x600;
	s15 =	simm.s32 $0x8600;
	s16 =	simm.s32 $0x10600  }
0x6: {  	s17 =	simm.s32 $0x18600;
	s18 =	simm.s32 $0x0;
	s3 =	sand.u32 $0x1, s2  }
0x7: {  	s2 =	simm.s32 $0x0;
	s5 =	sshll.u32 s1, $0x7;
	s6 =	sshll.u32 s3, $0x6  }
0x8: {  	[smem:$0x7FF] =	sst s2;
	s30 =	ssub.s32 $0x2, s3;
	s3 =	sadd.s32 $0x1E00, s4  }
0x9: {  	s9 =	sor.u32 s6, s5;
	_ =	strace $0x80000047;
	s31 =	sshrl.u32 s30, $0x1  }
0xa: {  	s7 =	sadd.s32 s9, s4;
	s4 =	sadd.s32 $0x7A3600, s4;
	s10 =	ssub.s32 s30, s31  }
0xb: {  	v1 =	vlaneseq.u32;
	s8 =	sadd.s32 s8, s9;
	s5 =	sadd.s32 $0x1600, s7;
	s6 =	sadd.s32 $0xE00, s7  }
0xc: {  	v0 =	vimm.s32 $0x0;
	v1 =	vmul.u32 $0x80, v1;
	s7 =	sadd.s32 $0x600, s7;
	s9 =	smax.u32 s10, $0x1;
	s10 =	simm.s32 $0x2  }
.LBB2_1:
0xd: {  	[tilespmem:s2], [sflag:$0x2] =	stream.linear.gather [hbm4b:s5+s2], $0x200, $0x38;
	[tilespmem:$0x18800] =	vst v63  }
0xe: {  	_ =	swait.ge [sflag:s10], $0x200  }
0xf: {  	[sflag:s10] =	ssyncset.done $0x0  }
0x10: {  	[sflag:s10] =	ssyncadd.s32 $0xFFFFFE00  }
0x11: {  	[tilespmem:s11], [sflag:$0x2] =	stream.linear.gather [hbm4b:s6+s2], $0x200, $0x38;
	[tilespmem:$0x18800] =	vst v63  }
0x12: {  	_ =	swait.ge [sflag:s10], $0x200  }
0x13: {  	[sflag:s10] =	ssyncset.done $0x0  }
0x14: {  	[sflag:s10] =	ssyncadd.s32 $0xFFFFFE00  }
0x15: {  	[tilespmem:s12], [sflag:$0x2] =	stream.linear.gather [hbm4b:s7+s2], $0x200, $0x38;
	[tilespmem:$0x18800] =	vst v63  }
0x16: {  	_ =	swait.ge [sflag:s10], $0x200  }
0x17: {  	[sflag:s10] =	ssyncset.done $0x0  }
0x18: {  	p1 =	por $0x1, $0x1;
	s19 =	simm.s32 $0x0;
	[sflag:s10] =	ssyncadd.s32 $0xFFFFFE00  }
.LBB2_2:
0x19: {  	s20 =	sshll.u32 s19, $0x2  }
0x1a: {  	p0 =	por p1, p1;
	s20 =	sshra.s32 s20, $0x2  }
0x1b: {  	s23 =	simm.s32 $0x0;
	s21 =	sadd.s32 $0x200, s20;
	s22 =	sadd.s32 $0x400, s20  }
.LBB2_3:
0x1c: {  	v4 =	vld [tilespmem:s22+$0x0]  }
0x1d: {  	v3 =	vld [tilespmem:s20+$0x0];
	_ =	sdelay $0x3  }
0x1e: {  	(v2sf) =	vpush v4, $0x0  }
0x1f: {  	v2 =	vld [tilespmem:s21+$0x0];
	(v2sf) =	vpush v3, $0x0;
	_ =	sdelay $0x4  }
0x20: {  	(v2sf) =	vpush v2, $0x0;
	_ =	sdelay $0x8  }
0x21: {  	s25 =	spop (v2sf)  }
0x22: {  	s24 =	spop (v2sf)  }
0x23: {  	s26 =	sshll.u32 s24, $0x7  }
0x24: {  	p1 =	sgt.s32 s24, $0x7A17F;
	s24 =	sadd.s32 $0xFC2F4000, s26  }
0x25: {  	s26 =	smov.u32 @p1 s24  }
0x26: {  	(v2sf) =	vpush v4, $0x1;
	s24 =	sshra.s32 s23, $0x2;
	s26 =	sshrl.u32 s26, $0x3  }
0x27: {  	(v2sf) =	vpush v3, $0x1;
	s31 =	spop (v2sf);
	s28 =	sadd.s32 $0x600, s24;
	s26 =	sadd.s32 s3, s26  }
0x28: {  	[tilespmem:s28], [sflag:$0x1] =	stream.linear.gather [hbm4b:s26+s2], $0x80, $0x38;
	[tilespmem:$0x18800] =	vst v63  }
0x29: {  	s28 =	sshll.u32 s31, $0x7  }
0x2a: {  	p1 =	sgt.s32 s31, $0x7A17F;
	s26 =	sadd.s32 $0xFC2F4000, s28  }
0x2b: {  	(v2sf) =	vpush v2, $0x1;
	s28 =	smov.u32 @p1 s26  }
0x2c: {  	s26 =	sshrl.u32 s28, $0x3  }
0x2d: {  	s29 =	sadd.s32 $0x8600, s24;
	s26 =	sadd.s32 s3, s26  }
0x2e: {  	[tilespmem:s29], [sflag:$0x1] =	stream.linear.gather [hbm4b:s26+s2], $0x80, $0x38;
	[tilespmem:$0x18800] =	vst v63  }
0x2f: {  	s26 =	sshll.u32 s25, $0x7  }
0x30: {  	p1 =	sgt.s32 s25, $0x7A17F;
	s25 =	sadd.s32 $0xFC2F4000, s26  }
0x31: {  	s26 =	smov.u32 @p1 s25  }
0x32: {  	s25 =	sshrl.u32 s26, $0x3  }
0x33: {  	s30 =	sadd.s32 $0x10600, s24;
	s25 =	sadd.s32 s4, s25  }
0x34: {  	[tilespmem:s30], [sflag:$0x1] =	stream.linear.gather [hbm4b:s25+s2], $0x80, $0x38;
	[tilespmem:$0x18800] =	vst v63  }
0x35: {  	s25 =	spop (v2sf)  }
0x36: {  	s31 =	spop (v2sf)  }
0x37: {  	s28 =	sshll.u32 s31, $0x7  }
0x38: {  	p1 =	sgt.s32 s31, $0x7A17F;
	s26 =	sadd.s32 $0xFC2F4000, s28  }
0x39: {  	(v2sf) =	vpush v4, $0x2;
	s28 =	smov.u32 @p1 s26  }
0x3a: {  	(v2sf) =	vpush v3, $0x2;
	s30 =	spop (v2sf);
	s26 =	sshrl.u32 s28, $0x3  }
0x3b: {  	s29 =	sadd.s32 $0x680, s24;
	s28 =	sshll.u32 s30, $0x7;
	s26 =	sadd.s32 s3, s26  }
0x3c: {  	[tilespmem:s29], [sflag:$0x1] =	stream.linear.gather [hbm4b:s26+s2], $0x80, $0x38;
	[tilespmem:$0x18800] =	vst v63  }
0x3d: {  	p1 =	sgt.s32 s30, $0x7A17F;
	s26 =	sadd.s32 $0xFC2F4000, s28  }
0x3e: {  	(v2sf) =	vpush v2, $0x2;
	s28 =	smov.u32 @p1 s26  }
0x3f: {  	s26 =	sshrl.u32 s28, $0x3  }
0x40: {  	s31 =	sadd.s32 $0x8680, s24;
	s26 =	sadd.s32 s3, s26  }
0x41: {  	[tilespmem:s31], [sflag:$0x1] =	stream.linear.gather [hbm4b:s26+s2], $0x80, $0x38;
	[tilespmem:$0x18800] =	vst v63  }
0x42: {  	s26 =	sshll.u32 s25, $0x7  }
0x43: {  	p1 =	sgt.s32 s25, $0x7A17F;
	s25 =	sadd.s32 $0xFC2F4000, s26  }
0x44: {  	s26 =	smov.u32 @p1 s25  }
0x45: {  	s25 =	sshrl.u32 s26, $0x3  }
0x46: {  	s28 =	sadd.s32 $0x10680, s24;
	s25 =	sadd.s32 s4, s25  }
0x47: {  	[tilespmem:s28], [sflag:$0x1] =	stream.linear.gather [hbm4b:s25+s2], $0x80, $0x38;
	[tilespmem:$0x18800] =	vst v63  }
0x48: {  	s25 =	spop (v2sf)  }
0x49: {  	s29 =	spop (v2sf)  }
0x4a: {  	s28 =	sshll.u32 s29, $0x7  }
0x4b: {  	p1 =	sgt.s32 s29, $0x7A17F;
	s26 =	sadd.s32 $0xFC2F4000, s28  }
0x4c: {  	(v2sf) =	vpush v4, $0x3;
	s28 =	smov.u32 @p1 s26  }
0x4d: {  	(v2sf) =	vpush v3, $0x3;
	s31 =	spop (v2sf);
	s26 =	sshrl.u32 s28, $0x3  }
0x4e: {  	s30 =	sadd.s32 $0x700, s24;
	s28 =	sshll.u32 s31, $0x7;
	s26 =	sadd.s32 s3, s26  }
0x4f: {  	[tilespmem:s30], [sflag:$0x1] =	stream.linear.gather [hbm4b:s26+s2], $0x80, $0x38;
	[tilespmem:$0x18800] =	vst v63  }
0x50: {  	p1 =	sgt.s32 s31, $0x7A17F;
	s26 =	sadd.s32 $0xFC2F4000, s28  }
0x51: {  	(v2sf) =	vpush v2, $0x3;
	s28 =	smov.u32 @p1 s26  }
0x52: {  	s26 =	sshrl.u32 s28, $0x3  }
0x53: {  	s29 =	sadd.s32 $0x8700, s24;
	s26 =	sadd.s32 s3, s26  }
0x54: {  	[tilespmem:s29], [sflag:$0x1] =	stream.linear.gather [hbm4b:s26+s2], $0x80, $0x38;
	[tilespmem:$0x18800] =	vst v63  }
0x55: {  	s26 =	sshll.u32 s25, $0x7  }
0x56: {  	p1 =	sgt.s32 s25, $0x7A17F;
	s25 =	sadd.s32 $0xFC2F4000, s26  }
0x57: {  	s26 =	smov.u32 @p1 s25  }
0x58: {  	s25 =	sshrl.u32 s26, $0x3  }
0x59: {  	s30 =	sadd.s32 $0x10700, s24;
	s25 =	sadd.s32 s4, s25  }
0x5a: {  	[tilespmem:s30], [sflag:$0x1] =	stream.linear.gather [hbm4b:s25+s2], $0x80, $0x38;
	[tilespmem:$0x18800] =	vst v63  }
0x5b: {  	s25 =	spop (v2sf)  }
0x5c: {  	s31 =	spop (v2sf)  }
0x5d: {  	s28 =	sshll.u32 s31, $0x7  }
0x5e: {  	p1 =	sgt.s32 s31, $0x7A17F;
	s26 =	sadd.s32 $0xFC2F4000, s28  }
0x5f: {  	(v2sf) =	vpush v4, $0x4;
	s28 =	smov.u32 @p1 s26  }
0x60: {  	(v2sf) =	vpush v3, $0x4;
	s30 =	spop (v2sf);
	s26 =	sshrl.u32 s28, $0x3  }
0x61: {  	s29 =	sadd.s32 $0x780, s24;
	s28 =	sshll.u32 s30, $0x7;
	s26 =	sadd.s32 s3, s26  }
0x62: {  	[tilespmem:s29], [sflag:$0x1] =	stream.linear.gather [hbm4b:s26+s2], $0x80, $0x38;
	[tilespmem:$0x18800] =	vst v63  }
0x63: {  	p1 =	sgt.s32 s30, $0x7A17F;
	s26 =	sadd.s32 $0xFC2F4000, s28  }
0x64: {  	(v2sf) =	vpush v2, $0x4;
	s28 =	smov.u32 @p1 s26  }
0x65: {  	s26 =	sshrl.u32 s28, $0x3  }
0x66: {  	s31 =	sadd.s32 $0x8780, s24;
	s26 =	sadd.s32 s3, s26  }
0x67: {  	[tilespmem:s31], [sflag:$0x1] =	stream.linear.gather [hbm4b:s26+s2], $0x80, $0x38;
	[tilespmem:$0x18800] =	vst v63  }
0x68: {  	s26 =	sshll.u32 s25, $0x7  }
0x69: {  	p1 =	sgt.s32 s25, $0x7A17F;
	s25 =	sadd.s32 $0xFC2F4000, s26  }
0x6a: {  	s26 =	smov.u32 @p1 s25  }
0x6b: {  	s25 =	sshrl.u32 s26, $0x3  }
0x6c: {  	s28 =	sadd.s32 $0x10780, s24;
	s25 =	sadd.s32 s4, s25  }
0x6d: {  	[tilespmem:s28], [sflag:$0x1] =	stream.linear.gather [hbm4b:s25+s2], $0x80, $0x38;
	[tilespmem:$0x18800] =	vst v63  }
0x6e: {  	s25 =	spop (v2sf)  }
0x6f: {  	s29 =	spop (v2sf)  }
0x70: {  	s28 =	sshll.u32 s29, $0x7  }
0x71: {  	p1 =	sgt.s32 s29, $0x7A17F;
	s26 =	sadd.s32 $0xFC2F4000, s28  }
0x72: {  	(v2sf) =	vpush v4, $0x5;
	s28 =	smov.u32 @p1 s26  }
0x73: {  	(v2sf) =	vpush v3, $0x5;
	s31 =	spop (v2sf);
	s26 =	sshrl.u32 s28, $0x3  }
0x74: {  	s30 =	sadd.s32 $0x800, s24;
	s28 =	sshll.u32 s31, $0x7;
	s26 =	sadd.s32 s3, s26  }
0x75: {  	[tilespmem:s30], [sflag:$0x1] =	stream.linear.gather [hbm4b:s26+s2], $0x80, $0x38;
	[tilespmem:$0x18800] =	vst v63  }
0x76: {  	p1 =	sgt.s32 s31, $0x7A17F;
	s26 =	sadd.s32 $0xFC2F4000, s28  }
0x77: {  	(v2sf) =	vpush v2, $0x5;
	s28 =	smov.u32 @p1 s26  }
0x78: {  	s26 =	sshrl.u32 s28, $0x3  }
0x79: {  	s29 =	sadd.s32 $0x8800, s24;
	s26 =	sadd.s32 s3, s26  }
0x7a: {  	[tilespmem:s29], [sflag:$0x1] =	stream.linear.gather [hbm4b:s26+s2], $0x80, $0x38;
	[tilespmem:$0x18800] =	vst v63  }
0x7b: {  	s26 =	sshll.u32 s25, $0x7  }
0x7c: {  	p1 =	sgt.s32 s25, $0x7A17F;
	s25 =	sadd.s32 $0xFC2F4000, s26  }
0x7d: {  	s26 =	smov.u32 @p1 s25  }
0x7e: {  	s25 =	sshrl.u32 s26, $0x3  }
0x7f: {  	s30 =	sadd.s32 $0x10800, s24;
	s25 =	sadd.s32 s4, s25  }
0x80: {  	[tilespmem:s30], [sflag:$0x1] =	stream.linear.gather [hbm4b:s25+s2], $0x80, $0x38;
	[tilespmem:$0x18800] =	vst v63  }
0x81: {  	s25 =	spop (v2sf)  }
0x82: {  	s31 =	spop (v2sf)  }
0x83: {  	s28 =	sshll.u32 s31, $0x7  }
0x84: {  	p1 =	sgt.s32 s31, $0x7A17F;
	s26 =	sadd.s32 $0xFC2F4000, s28  }
0x85: {  	(v2sf) =	vpush v4, $0x6;
	s28 =	smov.u32 @p1 s26  }
0x86: {  	(v2sf) =	vpush v3, $0x6;
	s30 =	spop (v2sf);
	s26 =	sshrl.u32 s28, $0x3  }
0x87: {  	s29 =	sadd.s32 $0x880, s24;
	s28 =	sshll.u32 s30, $0x7;
	s26 =	sadd.s32 s3, s26  }
0x88: {  	[tilespmem:s29], [sflag:$0x1] =	stream.linear.gather [hbm4b:s26+s2], $0x80, $0x38;
	[tilespmem:$0x18800] =	vst v63  }
0x89: {  	p1 =	sgt.s32 s30, $0x7A17F;
	s26 =	sadd.s32 $0xFC2F4000, s28  }
0x8a: {  	(v2sf) =	vpush v2, $0x6;
	s28 =	smov.u32 @p1 s26  }
0x8b: {  	s26 =	sshrl.u32 s28, $0x3  }
0x8c: {  	s31 =	sadd.s32 $0x8880, s24;
	s26 =	sadd.s32 s3, s26  }
0x8d: {  	[tilespmem:s31], [sflag:$0x1] =	stream.linear.gather [hbm4b:s26+s2], $0x80, $0x38;
	[tilespmem:$0x18800] =	vst v63  }
0x8e: {  	s26 =	sshll.u32 s25, $0x7  }
0x8f: {  	p1 =	sgt.s32 s25, $0x7A17F;
	s25 =	sadd.s32 $0xFC2F4000, s26  }
0x90: {  	s26 =	smov.u32 @p1 s25  }
0x91: {  	s25 =	sshrl.u32 s26, $0x3  }
0x92: {  	s28 =	sadd.s32 $0x10880, s24;
	s25 =	sadd.s32 s4, s25  }
0x93: {  	[tilespmem:s28], [sflag:$0x1] =	stream.linear.gather [hbm4b:s25+s2], $0x80, $0x38;
	[tilespmem:$0x18800] =	vst v63  }
0x94: {  	s25 =	spop (v2sf)  }
0x95: {  	s29 =	spop (v2sf)  }
0x96: {  	s28 =	sshll.u32 s29, $0x7  }
0x97: {  	p1 =	sgt.s32 s29, $0x7A17F;
	s26 =	sadd.s32 $0xFC2F4000, s28  }
0x98: {  	(v2sf) =	vpush v4, $0x7;
	s28 =	smov.u32 @p1 s26  }
0x99: {  	(v2sf) =	vpush v3, $0x7;
	s31 =	spop (v2sf);
	s26 =	sshrl.u32 s28, $0x3  }
0x9a: {  	s30 =	sadd.s32 $0x900, s24;
	s28 =	sshll.u32 s31, $0x7;
	s26 =	sadd.s32 s3, s26  }
0x9b: {  	[tilespmem:s30], [sflag:$0x1] =	stream.linear.gather [hbm4b:s26+s2], $0x80, $0x38;
	[tilespmem:$0x18800] =	vst v63  }
0x9c: {  	p1 =	sgt.s32 s31, $0x7A17F;
	s26 =	sadd.s32 $0xFC2F4000, s28  }
0x9d: {  	(v2sf) =	vpush v2, $0x7;
	s28 =	smov.u32 @p1 s26  }
0x9e: {  	s26 =	sshrl.u32 s28, $0x3  }
0x9f: {  	s29 =	sadd.s32 $0x8900, s24;
	s26 =	sadd.s32 s3, s26  }
0xa0: {  	[tilespmem:s29], [sflag:$0x1] =	stream.linear.gather [hbm4b:s26+s2], $0x80, $0x38;
	[tilespmem:$0x18800] =	vst v63  }
0xa1: {  	s26 =	sshll.u32 s25, $0x7  }
0xa2: {  	p1 =	sgt.s32 s25, $0x7A17F;
	s25 =	sadd.s32 $0xFC2F4000, s26  }
0xa3: {  	s26 =	smov.u32 @p1 s25  }
0xa4: {  	s25 =	sshrl.u32 s26, $0x3  }
0xa5: {  	s30 =	sadd.s32 $0x10900, s24;
	s25 =	sadd.s32 s4, s25  }
0xa6: {  	[tilespmem:s30], [sflag:$0x1] =	stream.linear.gather [hbm4b:s25+s2], $0x80, $0x38;
	[tilespmem:$0x18800] =	vst v63  }
0xa7: {  	s25 =	spop (v2sf)  }
0xa8: {  	s31 =	spop (v2sf)  }
0xa9: {  	s28 =	sshll.u32 s31, $0x7  }
0xaa: {  	p1 =	sgt.s32 s31, $0x7A17F;
	s26 =	sadd.s32 $0xFC2F4000, s28  }
0xab: {  	(v2sf) =	vpush v4, $0x8;
	s28 =	smov.u32 @p1 s26  }
0xac: {  	(v2sf) =	vpush v3, $0x8;
	s30 =	spop (v2sf);
	s26 =	sshrl.u32 s28, $0x3  }
0xad: {  	s29 =	sadd.s32 $0x980, s24;
	s28 =	sshll.u32 s30, $0x7;
	s26 =	sadd.s32 s3, s26  }
0xae: {  	[tilespmem:s29], [sflag:$0x1] =	stream.linear.gather [hbm4b:s26+s2], $0x80, $0x38;
	[tilespmem:$0x18800] =	vst v63  }
0xaf: {  	p1 =	sgt.s32 s30, $0x7A17F;
	s26 =	sadd.s32 $0xFC2F4000, s28  }
0xb0: {  	(v2sf) =	vpush v2, $0x8;
	s28 =	smov.u32 @p1 s26  }
0xb1: {  	s26 =	sshrl.u32 s28, $0x3  }
0xb2: {  	s31 =	sadd.s32 $0x8980, s24;
	s26 =	sadd.s32 s3, s26  }
0xb3: {  	[tilespmem:s31], [sflag:$0x1] =	stream.linear.gather [hbm4b:s26+s2], $0x80, $0x38;
	[tilespmem:$0x18800] =	vst v63  }
0xb4: {  	s26 =	sshll.u32 s25, $0x7  }
0xb5: {  	p1 =	sgt.s32 s25, $0x7A17F;
	s25 =	sadd.s32 $0xFC2F4000, s26  }
0xb6: {  	s26 =	smov.u32 @p1 s25  }
0xb7: {  	s25 =	sshrl.u32 s26, $0x3  }
0xb8: {  	s28 =	sadd.s32 $0x10980, s24;
	s25 =	sadd.s32 s4, s25  }
0xb9: {  	[tilespmem:s28], [sflag:$0x1] =	stream.linear.gather [hbm4b:s25+s2], $0x80, $0x38;
	[tilespmem:$0x18800] =	vst v63  }
0xba: {  	s25 =	spop (v2sf)  }
0xbb: {  	s29 =	spop (v2sf)  }
0xbc: {  	s28 =	sshll.u32 s29, $0x7  }
0xbd: {  	p1 =	sgt.s32 s29, $0x7A17F;
	s26 =	sadd.s32 $0xFC2F4000, s28  }
0xbe: {  	(v2sf) =	vpush v4, $0x9;
	s28 =	smov.u32 @p1 s26  }
0xbf: {  	(v2sf) =	vpush v3, $0x9;
	s31 =	spop (v2sf);
	s26 =	sshrl.u32 s28, $0x3  }
0xc0: {  	s30 =	sadd.s32 $0xA00, s24;
	s28 =	sshll.u32 s31, $0x7;
	s26 =	sadd.s32 s3, s26  }
0xc1: {  	[tilespmem:s30], [sflag:$0x1] =	stream.linear.gather [hbm4b:s26+s2], $0x80, $0x38;
	[tilespmem:$0x18800] =	vst v63  }
0xc2: {  	p1 =	sgt.s32 s31, $0x7A17F;
	s26 =	sadd.s32 $0xFC2F4000, s28  }
0xc3: {  	(v2sf) =	vpush v2, $0x9;
	s28 =	smov.u32 @p1 s26  }
0xc4: {  	s26 =	sshrl.u32 s28, $0x3  }
0xc5: {  	s29 =	sadd.s32 $0x8A00, s24;
	s26 =	sadd.s32 s3, s26  }
0xc6: {  	[tilespmem:s29], [sflag:$0x1] =	stream.linear.gather [hbm4b:s26+s2], $0x80, $0x38;
	[tilespmem:$0x18800] =	vst v63  }
0xc7: {  	s26 =	sshll.u32 s25, $0x7  }
0xc8: {  	p1 =	sgt.s32 s25, $0x7A17F;
	s25 =	sadd.s32 $0xFC2F4000, s26  }
0xc9: {  	s26 =	smov.u32 @p1 s25  }
0xca: {  	s25 =	sshrl.u32 s26, $0x3  }
0xcb: {  	s30 =	sadd.s32 $0x10A00, s24;
	s25 =	sadd.s32 s4, s25  }
0xcc: {  	[tilespmem:s30], [sflag:$0x1] =	stream.linear.gather [hbm4b:s25+s2], $0x80, $0x38;
	[tilespmem:$0x18800] =	vst v63  }
0xcd: {  	s25 =	spop (v2sf)  }
0xce: {  	s31 =	spop (v2sf)  }
0xcf: {  	s28 =	sshll.u32 s31, $0x7  }
0xd0: {  	p1 =	sgt.s32 s31, $0x7A17F;
	s26 =	sadd.s32 $0xFC2F4000, s28  }
0xd1: {  	(v2sf) =	vpush v4, $0xA;
	s28 =	smov.u32 @p1 s26  }
0xd2: {  	(v2sf) =	vpush v3, $0xA;
	s30 =	spop (v2sf);
	s26 =	sshrl.u32 s28, $0x3  }
0xd3: {  	s29 =	sadd.s32 $0xA80, s24;
	s28 =	sshll.u32 s30, $0x7;
	s26 =	sadd.s32 s3, s26  }
0xd4: {  	[tilespmem:s29], [sflag:$0x1] =	stream.linear.gather [hbm4b:s26+s2], $0x80, $0x38;
	[tilespmem:$0x18800] =	vst v63  }
0xd5: {  	p1 =	sgt.s32 s30, $0x7A17F;
	s26 =	sadd.s32 $0xFC2F4000, s28  }
0xd6: {  	(v2sf) =	vpush v2, $0xA;
	s28 =	smov.u32 @p1 s26  }
0xd7: {  	s26 =	sshrl.u32 s28, $0x3  }
0xd8: {  	s31 =	sadd.s32 $0x8A80, s24;
	s26 =	sadd.s32 s3, s26  }
0xd9: {  	[tilespmem:s31], [sflag:$0x1] =	stream.linear.gather [hbm4b:s26+s2], $0x80, $0x38;
	[tilespmem:$0x18800] =	vst v63  }
0xda: {  	s26 =	sshll.u32 s25, $0x7  }
0xdb: {  	p1 =	sgt.s32 s25, $0x7A17F;
	s25 =	sadd.s32 $0xFC2F4000, s26  }
0xdc: {  	s26 =	smov.u32 @p1 s25  }
0xdd: {  	s25 =	sshrl.u32 s26, $0x3  }
0xde: {  	s28 =	sadd.s32 $0x10A80, s24;
	s25 =	sadd.s32 s4, s25  }
0xdf: {  	[tilespmem:s28], [sflag:$0x1] =	stream.linear.gather [hbm4b:s25+s2], $0x80, $0x38;
	[tilespmem:$0x18800] =	vst v63  }
0xe0: {  	s25 =	spop (v2sf)  }
0xe1: {  	s29 =	spop (v2sf)  }
0xe2: {  	s28 =	sshll.u32 s29, $0x7  }
0xe3: {  	p1 =	sgt.s32 s29, $0x7A17F;
	s26 =	sadd.s32 $0xFC2F4000, s28  }
0xe4: {  	(v2sf) =	vpush v4, $0xB;
	s28 =	smov.u32 @p1 s26  }
0xe5: {  	(v2sf) =	vpush v3, $0xB;
	s31 =	spop (v2sf);
	s26 =	sshrl.u32 s28, $0x3  }
0xe6: {  	s30 =	sadd.s32 $0xB00, s24;
	s28 =	sshll.u32 s31, $0x7;
	s26 =	sadd.s32 s3, s26  }
0xe7: {  	[tilespmem:s30], [sflag:$0x1] =	stream.linear.gather [hbm4b:s26+s2], $0x80, $0x38;
	[tilespmem:$0x18800] =	vst v63  }
0xe8: {  	p1 =	sgt.s32 s31, $0x7A17F;
	s26 =	sadd.s32 $0xFC2F4000, s28  }
0xe9: {  	(v2sf) =	vpush v2, $0xB;
	s28 =	smov.u32 @p1 s26  }
0xea: {  	s26 =	sshrl.u32 s28, $0x3  }
0xeb: {  	s29 =	sadd.s32 $0x8B00, s24;
	s26 =	sadd.s32 s3, s26  }
0xec: {  	[tilespmem:s29], [sflag:$0x1] =	stream.linear.gather [hbm4b:s26+s2], $0x80, $0x38;
	[tilespmem:$0x18800] =	vst v63  }
0xed: {  	s26 =	sshll.u32 s25, $0x7  }
0xee: {  	p1 =	sgt.s32 s25, $0x7A17F;
	s25 =	sadd.s32 $0xFC2F4000, s26  }
0xef: {  	s26 =	smov.u32 @p1 s25  }
0xf0: {  	s25 =	sshrl.u32 s26, $0x3  }
0xf1: {  	s30 =	sadd.s32 $0x10B00, s24;
	s25 =	sadd.s32 s4, s25  }
0xf2: {  	[tilespmem:s30], [sflag:$0x1] =	stream.linear.gather [hbm4b:s25+s2], $0x80, $0x38;
	[tilespmem:$0x18800] =	vst v63  }
0xf3: {  	s25 =	spop (v2sf)  }
0xf4: {  	s31 =	spop (v2sf)  }
0xf5: {  	s28 =	sshll.u32 s31, $0x7  }
0xf6: {  	p1 =	sgt.s32 s31, $0x7A17F;
	s26 =	sadd.s32 $0xFC2F4000, s28  }
0xf7: {  	(v2sf) =	vpush v4, $0xC;
	s28 =	smov.u32 @p1 s26  }
0xf8: {  	(v2sf) =	vpush v3, $0xC;
	s30 =	spop (v2sf);
	s26 =	sshrl.u32 s28, $0x3  }
0xf9: {  	s29 =	sadd.s32 $0xB80, s24;
	s28 =	sshll.u32 s30, $0x7;
	s26 =	sadd.s32 s3, s26  }
0xfa: {  	[tilespmem:s29], [sflag:$0x1] =	stream.linear.gather [hbm4b:s26+s2], $0x80, $0x38;
	[tilespmem:$0x18800] =	vst v63  }
0xfb: {  	p1 =	sgt.s32 s30, $0x7A17F;
	s26 =	sadd.s32 $0xFC2F4000, s28  }
0xfc: {  	(v2sf) =	vpush v2, $0xC;
	s28 =	smov.u32 @p1 s26  }
0xfd: {  	s26 =	sshrl.u32 s28, $0x3  }
0xfe: {  	s31 =	sadd.s32 $0x8B80, s24;
	s26 =	sadd.s32 s3, s26  }
0xff: {  	[tilespmem:s31], [sflag:$0x1] =	stream.linear.gather [hbm4b:s26+s2], $0x80, $0x38;
	[tilespmem:$0x18800] =	vst v63  }
0x100: {  	s26 =	sshll.u32 s25, $0x7  }
0x101: {  	p1 =	sgt.s32 s25, $0x7A17F;
	s25 =	sadd.s32 $0xFC2F4000, s26  }
0x102: {  	s26 =	smov.u32 @p1 s25  }
0x103: {  	s25 =	sshrl.u32 s26, $0x3  }
0x104: {  	s28 =	sadd.s32 $0x10B80, s24;
	s25 =	sadd.s32 s4, s25  }
0x105: {  	[tilespmem:s28], [sflag:$0x1] =	stream.linear.gather [hbm4b:s25+s2], $0x80, $0x38;
	[tilespmem:$0x18800] =	vst v63  }
0x106: {  	s25 =	spop (v2sf)  }
0x107: {  	s29 =	spop (v2sf)  }
0x108: {  	s28 =	sshll.u32 s29, $0x7  }
0x109: {  	p1 =	sgt.s32 s29, $0x7A17F;
	s26 =	sadd.s32 $0xFC2F4000, s28  }
0x10a: {  	(v2sf) =	vpush v4, $0xD;
	s28 =	smov.u32 @p1 s26  }
0x10b: {  	(v2sf) =	vpush v3, $0xD;
	s31 =	spop (v2sf);
	s26 =	sshrl.u32 s28, $0x3  }
0x10c: {  	s30 =	sadd.s32 $0xC00, s24;
	s28 =	sshll.u32 s31, $0x7;
	s26 =	sadd.s32 s3, s26  }
0x10d: {  	[tilespmem:s30], [sflag:$0x1] =	stream.linear.gather [hbm4b:s26+s2], $0x80, $0x38;
	[tilespmem:$0x18800] =	vst v63  }
0x10e: {  	p1 =	sgt.s32 s31, $0x7A17F;
	s26 =	sadd.s32 $0xFC2F4000, s28  }
0x10f: {  	(v2sf) =	vpush v2, $0xD;
	s28 =	smov.u32 @p1 s26  }
0x110: {  	s26 =	sshrl.u32 s28, $0x3  }
0x111: {  	s29 =	sadd.s32 $0x8C00, s24;
	s26 =	sadd.s32 s3, s26  }
0x112: {  	[tilespmem:s29], [sflag:$0x1] =	stream.linear.gather [hbm4b:s26+s2], $0x80, $0x38;
	[tilespmem:$0x18800] =	vst v63  }
0x113: {  	s26 =	sshll.u32 s25, $0x7  }
0x114: {  	p1 =	sgt.s32 s25, $0x7A17F;
	s25 =	sadd.s32 $0xFC2F4000, s26  }
0x115: {  	s26 =	smov.u32 @p1 s25  }
0x116: {  	s25 =	sshrl.u32 s26, $0x3  }
0x117: {  	s30 =	sadd.s32 $0x10C00, s24;
	s25 =	sadd.s32 s4, s25  }
0x118: {  	[tilespmem:s30], [sflag:$0x1] =	stream.linear.gather [hbm4b:s25+s2], $0x80, $0x38;
	[tilespmem:$0x18800] =	vst v63  }
0x119: {  	s25 =	spop (v2sf)  }
0x11a: {  	s31 =	spop (v2sf)  }
0x11b: {  	s28 =	sshll.u32 s31, $0x7  }
0x11c: {  	p1 =	sgt.s32 s31, $0x7A17F;
	s26 =	sadd.s32 $0xFC2F4000, s28  }
0x11d: {  	(v2sf) =	vpush v4, $0xE;
	s28 =	smov.u32 @p1 s26  }
0x11e: {  	(v2sf) =	vpush v3, $0xE;
	s30 =	spop (v2sf);
	s26 =	sshrl.u32 s28, $0x3  }
0x11f: {  	s29 =	sadd.s32 $0xC80, s24;
	s28 =	sshll.u32 s30, $0x7;
	s26 =	sadd.s32 s3, s26  }
0x120: {  	[tilespmem:s29], [sflag:$0x1] =	stream.linear.gather [hbm4b:s26+s2], $0x80, $0x38;
	[tilespmem:$0x18800] =	vst v63  }
0x121: {  	p1 =	sgt.s32 s30, $0x7A17F;
	s26 =	sadd.s32 $0xFC2F4000, s28  }
0x122: {  	(v2sf) =	vpush v2, $0xE;
	s28 =	smov.u32 @p1 s26  }
0x123: {  	s26 =	sshrl.u32 s28, $0x3  }
0x124: {  	s31 =	sadd.s32 $0x8C80, s24;
	s26 =	sadd.s32 s3, s26  }
0x125: {  	[tilespmem:s31], [sflag:$0x1] =	stream.linear.gather [hbm4b:s26+s2], $0x80, $0x38;
	[tilespmem:$0x18800] =	vst v63  }
0x126: {  	s26 =	sshll.u32 s25, $0x7  }
0x127: {  	p1 =	sgt.s32 s25, $0x7A17F;
	s25 =	sadd.s32 $0xFC2F4000, s26  }
0x128: {  	s26 =	smov.u32 @p1 s25  }
0x129: {  	s25 =	sshrl.u32 s26, $0x3  }
0x12a: {  	s28 =	sadd.s32 $0x10C80, s24;
	s25 =	sadd.s32 s4, s25  }
0x12b: {  	[tilespmem:s28], [sflag:$0x1] =	stream.linear.gather [hbm4b:s25+s2], $0x80, $0x38;
	[tilespmem:$0x18800] =	vst v63  }
0x12c: {  	s25 =	spop (v2sf)  }
0x12d: {  	s29 =	spop (v2sf)  }
0x12e: {  	(v2sf) =	vpush v4, $0xF;
	s28 =	sshll.u32 s29, $0x7  }
0x12f: {  	p1 =	sgt.s32 s29, $0x7A17F;
	s26 =	sadd.s32 $0xFC2F4000, s28  }
0x130: {  	(v2sf) =	vpush v3, $0xF;
	s28 =	smov.u32 @p1 s26  }
0x131: {  	s31 =	spop (v2sf);
	s26 =	sshrl.u32 s28, $0x3  }
0x132: {  	s30 =	sadd.s32 $0xD00, s24;
	s28 =	sshll.u32 s31, $0x7;
	s26 =	sadd.s32 s3, s26  }
0x133: {  	[tilespmem:s30], [sflag:$0x1] =	stream.linear.gather [hbm4b:s26+s2], $0x80, $0x38;
	[tilespmem:$0x18800] =	vst v63  }
0x134: {  	(v2sf) =	vpush v2, $0xF;
	p1 =	sgt.s32 s31, $0x7A17F;
	s26 =	sadd.s32 $0xFC2F4000, s28  }
0x135: {  	s28 =	smov.u32 @p1 s26  }
0x136: {  	s26 =	sshrl.u32 s28, $0x3  }
0x137: {  	s29 =	sadd.s32 $0x8D00, s24;
	s26 =	sadd.s32 s3, s26  }
0x138: {  	[tilespmem:s29], [sflag:$0x1] =	stream.linear.gather [hbm4b:s26+s2], $0x80, $0x38;
	[tilespmem:$0x18800] =	vst v63  }
0x139: {  	s26 =	sshll.u32 s25, $0x7  }
0x13a: {  	p1 =	sgt.s32 s25, $0x7A17F;
	s25 =	sadd.s32 $0xFC2F4000, s26  }
0x13b: {  	s26 =	smov.u32 @p1 s25  }
0x13c: {  	s25 =	sshrl.u32 s26, $0x3  }
0x13d: {  	s30 =	sadd.s32 $0x10D00, s24;
	s26 =	spop (v2sf);
	s25 =	sadd.s32 s4, s25  }
0x13e: {  	[tilespmem:s30], [sflag:$0x1] =	stream.linear.gather [hbm4b:s25+s2], $0x80, $0x38;
	[tilespmem:$0x18800] =	vst v63  }
0x13f: {  	s31 =	spop (v2sf)  }
0x140: {  	s28 =	sshll.u32 s31, $0x7  }
0x141: {  	p1 =	sgt.s32 s31, $0x7A17F;
	s25 =	sadd.s32 $0xFC2F4000, s28  }
0x142: {  	s28 =	smov.u32 @p1 s25  }
0x143: {  	s30 =	spop (v2sf);
	s25 =	sshrl.u32 s28, $0x3  }
0x144: {  	s29 =	sadd.s32 $0xD80, s24;
	s28 =	sshll.u32 s30, $0x7;
	s25 =	sadd.s32 s3, s25  }
0x145: {  	[tilespmem:s29], [sflag:$0x1] =	stream.linear.gather [hbm4b:s25+s2], $0x80, $0x38;
	[tilespmem:$0x18800] =	vst v63  }
0x146: {  	p1 =	sgt.s32 s30, $0x7A17F;
	s25 =	sadd.s32 $0xFC2F4000, s28  }
0x147: {  	s28 =	smov.u32 @p1 s25  }
0x148: {  	s25 =	sshrl.u32 s28, $0x3  }
0x149: {  	s31 =	sadd.s32 $0x8D80, s24;
	s25 =	sadd.s32 s3, s25  }
0x14a: {  	[tilespmem:s31], [sflag:$0x1] =	stream.linear.gather [hbm4b:s25+s2], $0x80, $0x38;
	[tilespmem:$0x18800] =	vst v63  }
0x14b: {  	s25 =	sshll.u32 s26, $0x7  }
0x14c: {  	p1 =	sgt.s32 s26, $0x7A17F;
	s26 =	sadd.s32 $0xFC2F4000, s25  }
0x14d: {  	s25 =	smov.u32 @p1 s26;
	p1 =	sne.s32 s23, $0x1E000  }
.Ltmp0:
0x14e: {  	_ = 	snop;
	(pc) =	sbr.rel @p1 .LBB2_3-.Ltmp0, $4  }
0x14f: {  	s20 =	sadd.s32 $0x10, s20  }
0x150: {  	s21 =	sadd.s32 $0x10, s21;
	s22 =	sadd.s32 $0x10, s22;
	s25 =	sshrl.u32 s25, $0x3  }
0x151: {  	s24 =	sadd.s32 $0x10D80, s24;
	s23 =	sadd.s32 $0x2000, s23;
	s25 =	sadd.s32 s4, s25  }
0x152: {  	[tilespmem:s24], [sflag:$0x1] =	stream.linear.gather [hbm4b:s25+s2], $0x80, $0x38;
	[tilespmem:$0x18800] =	vst v63  }
0x153: {  	_ =	swait.ge [sflag:s13], $0x8000  }
0x154: {  	[sflag:s13] =	ssyncset.done $0x0  }
0x155: {  	[sflag:s13] =	ssyncadd.s32 $0xFFFF8000  }
0x156: {  	_ =	swait.ge [sflag:s13], $0x8000  }
0x157: {  	[sflag:s13] =	ssyncset.done $0x0  }
0x158: {  	[sflag:s13] =	ssyncadd.s32 $0xFFFF8000  }
0x159: {  	_ =	swait.ge [sflag:s13], $0x8000  }
0x15a: {  	[sflag:s13] =	ssyncset.done $0x0  }
0x15b: {  	s20 =	simm.s32 $0x0;
	v2 =	vmov s19;
	s21 =	simm.s32 $0x0;
	[sflag:s13] =	ssyncadd.s32 $0xFFFF8000  }
.LBB2_5:
0x15c: {  	_ =	sdelay $0x2  }
0x15d: {  	s22 =	sshll.u32 s21, $0x4  }
0x15e: {  	v3 =	vld.idx.msk [tilespmem:v2+s22+$0x0 ss:$0x1], $0xffff  }
0x15f: {  	v4 =	vld.idx.msk [tilespmem:v2+s22+$0x400 ss:$0x1], $0xffff;
	_ =	sdelay $0x1  }
0x160: {  	v5 =	vld.idx.msk [tilespmem:v2+s22+$0x200 ss:$0x1], $0xffff  }
0x161: {  	v6 =	vmov s22  }
0x162: {  	v6 =	vshll.u32 v6, $0x7;
	vm0 =	vgt.s32 v3, $0x7A17F  }
0x163: {  	v6 =	vor.u32 v1, v6;
	vm14 =	vgt.s32 v4, $0x7A17F;
	v3 =	vsel vm0, $0x40, v0  }
0x164: {  	v4 =	vsel vm14, $0x40, v0;
	v3 =	vor.u32 v6, v3  }
0x165: {  	vm15 =	vgt.s32 v5, $0x7A17F;
	v4 =	vor.u32 v6, v4;
	v7 =	vor.u32 s20, v3  }
0x166: {  	v5 =	vsel vm15, $0x40, v0;
	v8 =	vor.u32 s20, v4  }
0x167: {  	v5 =	vor.u32 v6, v5  }
0x168: {  	v6 =	vor.u32 s20, v5;
	_ =	sdelay $0x1  }
0x169: {  	s23 =	simm.s32 $0x1;
	v7 =	vld.idx.msk [tilespmem:v7+s14+$0x0], $0xffff  }
0x16a: {  	v9 =	vor.u32 s23, v3;
	v8 =	vld.idx.msk [tilespmem:v8+s16+$0x0], $0xffff  }
0x16b: {  	v10 =	vor.u32 s23, v4  }
0x16c: {  	v11 =	vor.u32 s23, v5;
	v6 =	vld.idx.msk [tilespmem:v6+s15+$0x0], $0xffff;
	_ =	sdelay $0x2  }
0x16d: {  	s24 =	simm.s32 $0x2;
	v12 =	vld.idx.msk [tilespmem:v9+s14+$0x0], $0xffff;
	v8 =	vadd.f32 v8, v7  }
0x16e: {  	v14 =	vor.u32 s24, v3;
	v7 =	vld.idx.msk [tilespmem:v10+s16+$0x0], $0xffff  }
0x16f: {  	v9 =	vsub.f32 v8, v6;
	v8 =	vld.idx.msk [tilespmem:v11+s15+$0x0], $0xffff;
	v11 =	vor.u32 s24, v4;
	_ =	sdelay $0x1  }
0x170: {  	v10 =	vor.u32 s24, v5  }
0x171: {  	v13 =	vmul.f32 v9, v9  }
0x172: {  	s22 =	sadd.s32 s19, s22;
	s23 =	simm.s32 $0x3;
	v6 =	vimm.f32 $0.0e+00;
	v9 =	vld.idx.msk [tilespmem:v14+s14+$0x0], $0xffff  }
.LBB2_6:
0x173: {  	v14 =	vor.u32 s23, v3;
	v12 =	vadd.f32 v7, v12;
	v7 =	vld.idx.msk [tilespmem:v11+s16+$0x0], $0xffff;
	v6 =	vadd.f32 v13, v6;
	s24 =	smov.u32 s23;
	p1 =	sne.s32 s23, $0x3F  }
.Ltmp1:
0x174: {  	s23 =	sadd.s32 $0x1, s23;
	v11 =	vor.u32 s24, v4;
	(pc) =	sbr.rel @p1 .LBB2_6-.Ltmp1, $4  }
0x175: {  	v15 =	vsub.f32 v12, v8;
	v8 =	vld.idx.msk [tilespmem:v10+s15+$0x0], $0xffff  }
0x176: {  	v10 =	vor.u32 s24, v5  }
0x177: {  	v13 =	vmul.f32 v15, v15  }
0x178: {  	v12 =	vmov v9;
	v9 =	vld.idx.msk [tilespmem:v14+s14+$0x0], $0xffff  }
0x179: {  	_ =	sdelay $0x3  }
0x17a: {  	v3 =	vld.idx.msk [tilespmem:v11+s16+$0x0], $0xffff;
	_ =	sdelay $0x1  }
0x17b: {  	v4 =	vld.idx.msk [tilespmem:v10+s15+$0x0], $0xffff  }
0x17c: {  	v5 =	vadd.f32 v7, v12;
	_ =	sdelay $0x1  }
0x17d: {  	v5 =	vsub.f32 v5, v8;
	v3 =	vadd.f32 v3, v9;
	_ =	sdelay $0x1  }
0x17e: {  	v6 =	vadd.f32 v13, v6;
	v5 =	vmul.f32 v5, v5;
	v3 =	vsub.f32 v3, v4;
	_ =	sdelay $0x1  }
0x17f: {  	v60 =	vadd.f32 v5, v6;
	v3 =	vmul.f32 v3, v3;
	_ =	sdelay $0x1  }
0x180: {  	v3 =	vadd.f32 v3, v60;
	_ =	sdelay $0x1  }
0x181: {  	v3 =	vadd.f32 $9.999999960e-13, v3;
	_ =	sdelay $0x1  }
0x182: {  	v61 =	vshra.s32 v3, $0x1;
	v62 =	vmul.f32 $5.000000000e-01, v3  }
0x183: {  	v4 =	vsub.s32 $0x5F3759DF, v61  }
0x184: {  	v63 =	vmul.f32 v4, v62;
	_ =	sdelay $0x1  }
0x185: {  	v6 =	vmul.f32 v4, v63;
	_ =	sdelay $0x1  }
0x186: {  	v6 =	vsub.f32 $1.500000000e+00, v6;
	_ =	sdelay $0x1  }
0x187: {  	v4 =	vmul.f32 v4, v6;
	_ =	sdelay $0x1  }
0x188: {  	v6 =	vmul.f32 v4, v62;
	_ =	sdelay $0x1  }
0x189: {  	v6 =	vmul.f32 v6, v4;
	_ =	sdelay $0x1  }
0x18a: {  	v6 =	vsub.f32 $1.500000000e+00, v6;
	_ =	sdelay $0x1  }
0x18b: {  	v4 =	vmul.f32 v6, v4;
	_ =	sdelay $0x1  }
0x18c: {  	v5 =	vmul.f32 v4, v62;
	_ =	sdelay $0x1  }
0x18d: {  	v5 =	vmul.f32 v5, v4;
	_ =	sdelay $0x1  }
0x18e: {  	v5 =	vsub.f32 $1.500000000e+00, v5;
	_ =	sdelay $0x1  }
0x18f: {  	s21 =	sadd.s32 $0x1, s21;
	v4 =	vmul.f32 v5, v4  }
0x190: {  	p1 =	sne.s32 s21, $0x10  }
.Ltmp2:
0x191: {  	v3 =	vmul.f32 v4, v3;
	(pc) =	sbr.rel @p1 .LBB2_5-.Ltmp2, $3  }
0x192: {  	_ = 	snop  }
0x193: {  	v3 =	vsub.f32 $0.0e+00, v3;
	_ =	sdelay $0x1  }
0x194: {  	[tilespmem:s22+$0x18600] =	vst v3  }
.Ltmp3:
0x195: {  	(pc) =	sbr.rel @p0 .LBB2_2-.Ltmp3, $2  }
0x196: {  	_ =	sdelay $0x2  }
0x197: {  	s19 =	simm.s32 $0x100;
	p1 =	por $0x0, $0x0  }
0x198: {  	s18 =	sadd.s32 $0x1, s18  }
0x199: {  	p0 =	sne.s32 s18, s9  }
.Ltmp4:
0x19a: {  	_ = 	snop;
	(pc) =	sbr.rel @p0 .LBB2_1-.Ltmp4, $4  }
0x19b: {  	[hbm4b:s8+s2] =	stream.linear.scatter [tilespmem:s17], [sflag:$0x2], $0x200, $0x38;
	[tilespmem:$0x18800] =	vst v63  }
0x19c: {  	_ =	swait.ge [sflag:s10], $0x200  }
0x19d: {  	[sflag:s10] =	ssyncset.done $0x0  }
0x19e: {  	[sflag:s10] =	ssyncadd.s32 $0xFFFFFE00  }
0x19f: {  	_ =	sfence.sel $0x180000  }
0x1a0: {  	[bflag:$0x0] =	sbarrier.arrive $0xFFFF  }
0x1a1: {  	p0 =	sne.s32 s1, $0x0;
	_ =	strace $0x90000047  }
0x1a2: {  	s0 =	sadd.s32 @!p0 $0x100000, s0;
	[bflag:$0x2] =	sbarrier.arrive $0xFFFF  }
0x1a3: {  	[sflag:s0] =	ssyncadd.tile.s32 @!p0 $0x1;
	_ =	shalt  }
.Lfunc_end2:
_tile_overlayer_lowered:
.L_overlay_start_2:
0x1a4: {  	(tag) =	ssettag $0x2  }
0x1a5: {  	s0 =	rddreg [dreg:$0x0];
	s2 =	stileid.u32  }
0x1a6: {  	s1 =	rddreg [dreg:$0x1];
	p0 =	sne.s32 s2, $0x0  }
0x1a7: {  	s3 =	rddreg [dreg:$0x2];
	[bflag:$0x3] =	sbarrier.arrive $0xFFFF;
	s2 =	simm.s32 @!p0 $0x1C02  }
0x1a8: {  	[timem:s3], [sflag:s2] =	dma.local @!p0 [hbm:s0], s1  }
0x1a9: {  	s0 =	simm.s32 @!p0 $0x2  }
0x1aa: {  	_ =	swait.ge @!p0 [sflag:s0], s1  }
0x1ab: {  	s1 =	ssub.s32 @!p0 $0x0, s1;
	[sflag:s0] =	ssyncset.done @!p0 $0x0  }
0x1ac: {  	[sflag:s0] =	ssyncadd.s32 @!p0 s1  }
0x1ad: {  	[bflag:$0x3] =	sbarrier.arrive $0xFFFF  }
0x1ae: {  	_ =	shalt  }

</sc_bundles>
